<compile_context>
chip_gen: v7x
topology: tpu7x:2x2x1
jax: 0.10.2.dev20260603
libtpu: 0.0.44.dev20260713+nightly
codegen_flags: <defaults>
</compile_context>

<pallas_src>
import functools

import jax
import jax.numpy as jnp
from jax import lax
from jax.experimental import pallas as pl
from jax.experimental.pallas import tpu as pltpu
from jax.experimental.pallas import tpu_sc as plsc

N = 10000
F = 128
O = 64
E = 320000

NC, NS = 2, 16
NW = NC * NS

CHUNK = 128
NCHUNK = -(-E // (NW * CHUNK))
EPW = NCHUNK * CHUNK
E_PAD = EPW * NW
R = 10240
RPT = R // NS
DUMMY = N
DEG_W = 128

_mesh = plsc.VectorSubcoreMesh(core_axis_name="c", subcore_axis_name="s")


@functools.partial(
    pl.kernel,
    out_type=jax.ShapeDtypeStruct((NC, R, DEG_W), jnp.float32),
    mesh=_mesh,
    scratch_types=(
        pltpu.VMEM((CHUNK,), jnp.int32),
        pltpu.VMEM((CHUNK, DEG_W), jnp.float32),
        pltpu.VMEM((CHUNK, DEG_W), jnp.float32),
        pltpu.VMEM_SHARED((R, DEG_W), jnp.float32),
    ),
)
def _seg_deg(dstp, z16, ones_hbm, deg_out, dst_v, ones_v, dstage_v, deg_sh):
    c = lax.axis_index("c")
    s = lax.axis_index("s")
    wid = s * NC + c
    row0 = s * RPT

    pltpu.sync_copy(z16, dstage_v)
    for k in range(RPT // CHUNK):
        pltpu.sync_copy(dstage_v, deg_sh.at[pl.ds(row0 + k * CHUNK, CHUNK)])
    pltpu.sync_copy(ones_hbm, ones_v)
    plsc.subcore_barrier()

    def body(j, carry):
        base = pl.multiple_of(wid * EPW + j * CHUNK, CHUNK)
        pltpu.sync_copy(dstp.at[pl.ds(base, CHUNK)], dst_v)
        pltpu.sync_copy(ones_v, deg_sh.at[dst_v], add=True)
        return carry

    lax.fori_loop(0, NCHUNK, body, 0)
    plsc.subcore_barrier()

    for k in range(RPT // CHUNK):
        r0 = row0 + k * CHUNK
        pltpu.sync_copy(deg_sh.at[pl.ds(r0, CHUNK)], dstage_v)
        pltpu.sync_copy(dstage_v, deg_out.at[c, pl.ds(r0, CHUNK)])


@functools.partial(
    pl.kernel,
    out_type=jax.ShapeDtypeStruct((NC, R, F), jnp.float32),
    mesh=_mesh,
    scratch_types=(
        pltpu.VMEM((CHUNK,), jnp.int32),
        pltpu.VMEM((CHUNK,), jnp.int32),
        pltpu.VMEM((CHUNK, F), jnp.float32),
        pltpu.SemaphoreType.DMA,
        pltpu.VMEM_SHARED((R, F), jnp.float32),
    ),
)
def _seg_sum(y, srcp, dstp, z128, acc_out, src_v, dst_v, rows_v, sem, acc_sh):
    c = lax.axis_index("c")
    s = lax.axis_index("s")
    wid = s * NC + c
    row0 = s * RPT

    pltpu.sync_copy(z128, rows_v)
    for k in range(RPT // CHUNK):
        pltpu.sync_copy(rows_v, acc_sh.at[pl.ds(row0 + k * CHUNK, CHUNK)])
    plsc.subcore_barrier()

    def body(j, carry):
        base = pl.multiple_of(wid * EPW + j * CHUNK, CHUNK)
        pltpu.sync_copy(srcp.at[pl.ds(base, CHUNK)], src_v)
        pltpu.sync_copy(dstp.at[pl.ds(base, CHUNK)], dst_v)
        pltpu.async_copy(y.at[src_v], rows_v, sem).wait()
        pltpu.sync_copy(rows_v, acc_sh.at[dst_v], add=True)
        return carry

    lax.fori_loop(0, NCHUNK, body, 0)
    plsc.subcore_barrier()

    for k in range(RPT // CHUNK):
        r0 = row0 + k * CHUNK
        pltpu.sync_copy(acc_sh.at[pl.ds(r0, CHUNK)], rows_v)
        pltpu.sync_copy(rows_v, acc_out.at[c, pl.ds(r0, CHUNK)])



BN = 2000
_GRID = (N // BN,)


def _stage_h_body(p0_ref, p1_ref, d0_ref, d1_ref, x_ref, wl_ref, wr_ref,
                  b_ref, h_ref):
    degc = jnp.maximum(d0_ref[:, :1] + d1_ref[:, :1], 1.0)
    agg = (p0_ref[...] + p1_ref[...]) / degc
    pre = (jnp.dot(agg, wl_ref[...], preferred_element_type=jnp.float32)
           + b_ref[...]
           + jnp.dot(x_ref[...], wr_ref[...], preferred_element_type=jnp.float32))
    h_ref[...] = jnp.maximum(pre, 0.0)


def _stage_out_body(q0_ref, q1_ref, d0_ref, d1_ref, h_ref, wl_ref, wr_ref,
                    b_ref, wc_ref, bc_ref, log_ref, emb_ref, soft_ref, hard_ref):
    degc = jnp.maximum(d0_ref[:, :1] + d1_ref[:, :1], 1.0)
    agg = (q0_ref[...] + q1_ref[...]) / degc
    h2 = (jnp.dot(agg, wl_ref[...], preferred_element_type=jnp.float32)
          + b_ref[...]
          + jnp.dot(h_ref[...], wr_ref[...], preferred_element_type=jnp.float32))
    emb_ref[...] = h2
    lg = jnp.dot(h2, wc_ref[...], preferred_element_type=jnp.float32) + bc_ref[...]
    log_ref[...] = lg
    m = jnp.max(lg, axis=1, keepdims=True)
    e = jnp.exp(lg - m)
    soft = e / jnp.sum(e, axis=1, keepdims=True)
    soft_ref[...] = soft
    ms = jnp.max(soft, axis=1, keepdims=True)
    cols = lax.broadcasted_iota(jnp.int32, (BN, O), 1)
    hard_ref[...] = jnp.min(jnp.where(soft == ms, cols, O), axis=1, keepdims=True)


def _rows_spec(w):
    return pl.BlockSpec((BN, w), lambda i: (i, 0))


def _full_spec(a, b):
    return pl.BlockSpec((a, b), lambda i: (0, 0))


_stage_h = pl.pallas_call(
    _stage_h_body,
    grid=_GRID,
    in_specs=[_rows_spec(F), _rows_spec(F), _rows_spec(DEG_W), _rows_spec(DEG_W),
              _rows_spec(F), _full_spec(F, F), _full_spec(F, F), _full_spec(1, F)],
    out_specs=[_rows_spec(F)],
    out_shape=[jax.ShapeDtypeStruct((N, F), jnp.float32)],
)

_stage_out = pl.pallas_call(
    _stage_out_body,
    grid=_GRID,
    in_specs=[_rows_spec(F), _rows_spec(F), _rows_spec(DEG_W), _rows_spec(DEG_W),
              _rows_spec(F), _full_spec(F, F), _full_spec(F, F), _full_spec(1, F),
              _full_spec(F, O), _full_spec(1, O)],
    out_specs=[_rows_spec(O), _rows_spec(F), _rows_spec(O), _rows_spec(1)],
    out_shape=[jax.ShapeDtypeStruct((N, O), jnp.float32),
               jax.ShapeDtypeStruct((N, F), jnp.float32),
               jax.ShapeDtypeStruct((N, O), jnp.float32),
               jax.ShapeDtypeStruct((N, 1), jnp.int32)],
)


def kernel(x, edge_index, W1l, b1l, W1r, W2l, b2l, W2r, Wc, bc):
    src = edge_index[0].astype(jnp.int32)
    dst = edge_index[1].astype(jnp.int32)
    srcp = jnp.concatenate([src, jnp.zeros((E_PAD - E,), jnp.int32)])
    dstp = jnp.concatenate([dst, jnp.full((E_PAD - E,), DUMMY, jnp.int32)])
    srcp, dstp = lax.optimization_barrier((srcp, dstp))

    z128 = jnp.zeros((CHUNK, F), jnp.float32)
    ones = jnp.ones((CHUNK, DEG_W), jnp.float32)
    z128, ones = lax.optimization_barrier((z128, ones))

    acc1 = _seg_sum(x, srcp, dstp, z128)
    degp = _seg_deg(dstp, z128, ones)
    (h,) = _stage_h(acc1[0], acc1[1], degp[0], degp[1], x,
                    W1l.T, W1r.T, b1l.reshape(1, F))
    acc2 = _seg_sum(h, srcp, dstp, z128)
    logits, emb, soft, hard = _stage_out(acc2[0], acc2[1], degp[0], degp[1], h,
                                         W2l.T, W2r.T, b2l.reshape(1, F),
                                         Wc.T, bc.reshape(1, O))
    return logits, emb, soft, hard.reshape(N)

# --- scband reference (transcript-rebuilt; emitter-appended) ---
"""Pipeline reference for scband-graph-sagevar-29231547416624 (READ-ONLY COPY).

The authoritative reference and input builder live on the scoring server;
editing this copy changes nothing except your own understanding.
"""

import jax, jax.numpy as jnp
import numpy as np

N_NODES = 10000
N_EDGES = 320000
IN_FEATS = 128
HIDDEN = 128
OUT_FEATS = 64


def setup_inputs(seed: int = 0) -> dict:
    key = jax.random.key(seed)
    ks = jax.random.split(key, 12)
    x = jax.random.normal(ks[0], (N_NODES, IN_FEATS), dtype=jnp.float32)
    edge_index = jax.random.randint(ks[1], (2, N_EDGES), 0, N_NODES, dtype=jnp.int64)
    s1 = 1.0 / np.sqrt(IN_FEATS)
    s2 = 1.0 / np.sqrt(HIDDEN)
    # sage1: lin_l (with bias) on aggregated neighbors, lin_r (no bias) on root
    W1l = jax.random.uniform(ks[2], (HIDDEN, IN_FEATS), jnp.float32, -s1, s1)
    b1l = jax.random.uniform(ks[3], (HIDDEN,), jnp.float32, -s1, s1)
    W1r = jax.random.uniform(ks[4], (HIDDEN, IN_FEATS), jnp.float32, -s1, s1)
    # sage2
    W2l = jax.random.uniform(ks[5], (HIDDEN, HIDDEN), jnp.float32, -s2, s2)
    b2l = jax.random.uniform(ks[6], (HIDDEN,), jnp.float32, -s2, s2)
    W2r = jax.random.uniform(ks[7], (HIDDEN, HIDDEN), jnp.float32, -s2, s2)
    # classifier
    Wc = jax.random.uniform(ks[8], (OUT_FEATS, HIDDEN), jnp.float32, -s2, s2)
    bc = jax.random.uniform(ks[9], (OUT_FEATS,), jnp.float32, -s2, s2)
    return {"x": x, "edge_index": edge_index,
            "W1l": W1l, "b1l": b1l, "W1r": W1r,
            "W2l": W2l, "b2l": b2l, "W2r": W2r,
            "Wc": Wc, "bc": bc}


def _sage_conv(x, src, dst, Wl, bl, Wr, n_nodes):
    # mean aggregation of neighbor messages at destination nodes
    msg = x[src]
    agg = jax.ops.segment_sum(msg, dst, num_segments=n_nodes)
    deg = jax.ops.segment_sum(jnp.ones((src.shape[0],), dtype=x.dtype), dst,
                              num_segments=n_nodes)
    agg = agg / jnp.clip(deg, 1.0)[:, None]
    return agg @ Wl.T + bl + x @ Wr.T


def reference(x, edge_index, W1l, b1l, W1r, W2l, b2l, W2r, Wc, bc):
    # eval mode: dropout is identity
    src = edge_index[0]
    dst = edge_index[1]
    h = _sage_conv(x, src, dst, W1l, b1l, W1r, N_NODES)
    h = jax.nn.relu(h)
    h = _sage_conv(h, src, dst, W2l, b2l, W2r, N_NODES)
    embedding = h
    logits = embedding @ Wc.T + bc
    soft_label = jax.nn.softmax(logits, axis=1)
    hard_label = jnp.argmax(soft_label, axis=1)
    return (logits, embedding, soft_label, hard_label)

if __name__ == "__main__":
    import jax
    _d = setup_inputs()
    print(jax.jit(kernel)(*tuple(_d.values())))

</pallas_src>

<mosaic_0001>
#map = affine_map<(d0, d1) -> (0, 0)>
#map1 = affine_map<(d0, d1) -> (0)>
#map2 = affine_map<(d0, d1) -> (0, 0, 0)>
module attributes {stable_mosaic.version = 14 : i64} {
  func.func @_seg_sum(%arg0: i32, %arg1: i32, %arg2: memref<10000x128xf32, #tpu.memory_space<hbm>>, %arg3: memref<323584xi32, #tpu.memory_space<hbm>>, %arg4: memref<323584xi32, #tpu.memory_space<hbm>>, %arg5: memref<128x128xf32, #tpu.memory_space<hbm>>, %arg6: memref<2x10240x128xf32, #tpu.memory_space<hbm>>, %arg7: memref<128xi32, #tpu.memory_space<vmem>>, %arg8: memref<128xi32, #tpu.memory_space<vmem>>, %arg9: memref<128x128xf32, #tpu.memory_space<vmem>>, %arg10: memref<!tpu.dma_semaphore, #tpu.memory_space<semaphore_mem>>, %arg11: memref<10240x128xf32, #tpu.memory_space<vmem_shared>>) attributes {dimension_semantics = [#tpu.dimension_semantics<core_parallel>, #tpu.dimension_semantics<subcore_parallel>], iteration_bounds = array<i64: 2, 16>, scalar_prefetch = 0 : i64, scratch_operands = 5 : i64, tpu.core_type = #tpu.core_type<sc_vector_subcore>, window_params = [{transform_indices = #map}, {transform_indices = #map1}, {transform_indices = #map1}, {transform_indices = #map}, {transform_indices = #map2}]} {
    %mul3A = arith.constant 2 : i32
    %mul3A_0 = arith.muli %arg1, %mul3A : i32
    %add3A = arith.addi %mul3A_0, %arg0 : i32
    %mul3A_1 = arith.constant 640 : i32
    %mul3A_2 = arith.muli %arg1, %mul3A_1 : i32
    "tpu.region"() ({
      %run_scoped3A = tpu.sem_alloc : memref<!tpu.dma_semaphore, #tpu.memory_space<semaphore_mem>>
      tpu.enqueue_dma source(%arg5 : memref<128x128xf32, #tpu.memory_space<hbm>>) target(%arg9 : memref<128x128xf32, #tpu.memory_space<vmem>>) target_semaphore(%run_scoped3A : memref<!tpu.dma_semaphore, #tpu.memory_space<semaphore_mem>>)
      tpu.wait_dma2 semaphore(%run_scoped3A : memref<!tpu.dma_semaphore, #tpu.memory_space<semaphore_mem>>) src(%arg5 : memref<128x128xf32, #tpu.memory_space<hbm>>) dst(%arg9 : memref<128x128xf32, #tpu.memory_space<vmem>>)
      tpu.yield
    }) : () -> ()
    %add3A_3 = arith.constant 0 : i32
    %add3A_4 = arith.addi %mul3A_2, %add3A_3 : i32
    "tpu.region"() ({
      %run_scoped3A = tpu.sem_alloc : memref<!tpu.dma_semaphore, #tpu.memory_space<semaphore_mem>>
      %dma_start3A = arith.constant 0 : i32
      %dma_start3A_29 = tpu.memref_slice %arg11[%add3A_4, %dma_start3A] : memref<10240x128xf32, #tpu.memory_space<vmem_shared>> -> memref<128x128xf32, #tpu.memory_space<vmem_shared>>
      %dma_start3A_30 = arith.constant 0 : i32
      %dma_start3A_31 = tpu.memref_slice %arg11[%add3A_4, %dma_start3A_30] : memref<10240x128xf32, #tpu.memory_space<vmem_shared>> -> memref<128x128xf32, #tpu.memory_space<vmem_shared>>
      tpu.enqueue_dma source(%arg9 : memref<128x128xf32, #tpu.memory_space<vmem>>) target(%dma_start3A_31 : memref<128x128xf32, #tpu.memory_space<vmem_shared>>) target_semaphore(%run_scoped3A : memref<!tpu.dma_semaphore, #tpu.memory_space<semaphore_mem>>)
      %dma_wait3A = arith.constant 0 : i32
      %dma_wait3A_32 = tpu.memref_slice %arg11[%add3A_4, %dma_wait3A] : memref<10240x128xf32, #tpu.memory_space<vmem_shared>> -> memref<128x128xf32, #tpu.memory_space<vmem_shared>>
      %dma_wait3A_33 = arith.constant 0 : i32
      %dma_wait3A_34 = tpu.memref_slice %arg11[%add3A_4, %dma_wait3A_33] : memref<10240x128xf32, #tpu.memory_space<vmem_shared>> -> memref<128x128xf32, #tpu.memory_space<vmem_shared>>
      tpu.wait_dma2 semaphore(%run_scoped3A : memref<!tpu.dma_semaphore, #tpu.memory_space<semaphore_mem>>) src(%arg9 : memref<128x128xf32, #tpu.memory_space<vmem>>) dst(%dma_wait3A_34 : memref<128x128xf32, #tpu.memory_space<vmem_shared>>)
      tpu.yield
    }) : () -> ()
    %add3A_5 = arith.constant 128 : i32
    %add3A_6 = arith.addi %mul3A_2, %add3A_5 : i32
    "tpu.region"() ({
      %run_scoped3A = tpu.sem_alloc : memref<!tpu.dma_semaphore, #tpu.memory_space<semaphore_mem>>
      %dma_start3A = arith.constant 0 : i32
      %dma_start3A_29 = tpu.memref_slice %arg11[%add3A_6, %dma_start3A] : memref<10240x128xf32, #tpu.memory_space<vmem_shared>> -> memref<128x128xf32, #tpu.memory_space<vmem_shared>>
      %dma_start3A_30 = arith.constant 0 : i32
      %dma_start3A_31 = tpu.memref_slice %arg11[%add3A_6, %dma_start3A_30] : memref<10240x128xf32, #tpu.memory_space<vmem_shared>> -> memref<128x128xf32, #tpu.memory_space<vmem_shared>>
      tpu.enqueue_dma source(%arg9 : memref<128x128xf32, #tpu.memory_space<vmem>>) target(%dma_start3A_31 : memref<128x128xf32, #tpu.memory_space<vmem_shared>>) target_semaphore(%run_scoped3A : memref<!tpu.dma_semaphore, #tpu.memory_space<semaphore_mem>>)
      %dma_wait3A = arith.constant 0 : i32
      %dma_wait3A_32 = tpu.memref_slice %arg11[%add3A_6, %dma_wait3A] : memref<10240x128xf32, #tpu.memory_space<vmem_shared>> -> memref<128x128xf32, #tpu.memory_space<vmem_shared>>
      %dma_wait3A_33 = arith.constant 0 : i32
      %dma_wait3A_34 = tpu.memref_slice %arg11[%add3A_6, %dma_wait3A_33] : memref<10240x128xf32, #tpu.memory_space<vmem_shared>> -> memref<128x128xf32, #tpu.memory_space<vmem_shared>>
      tpu.wait_dma2 semaphore(%run_scoped3A : memref<!tpu.dma_semaphore, #tpu.memory_space<semaphore_mem>>) src(%arg9 : memref<128x128xf32, #tpu.memory_space<vmem>>) dst(%dma_wait3A_34 : memref<128x128xf32, #tpu.memory_space<vmem_shared>>)
      tpu.yield
    }) : () -> ()
    %add3A_7 = arith.constant 256 : i32
    %add3A_8 = arith.addi %mul3A_2, %add3A_7 : i32
    "tpu.region"() ({
      %run_scoped3A = tpu.sem_alloc : memref<!tpu.dma_semaphore, #tpu.memory_space<semaphore_mem>>
      %dma_start3A = arith.constant 0 : i32
      %dma_start3A_29 = tpu.memref_slice %arg11[%add3A_8, %dma_start3A] : memref<10240x128xf32, #tpu.memory_space<vmem_shared>> -> memref<128x128xf32, #tpu.memory_space<vmem_shared>>
      %dma_start3A_30 = arith.constant 0 : i32
      %dma_start3A_31 = tpu.memref_slice %arg11[%add3A_8, %dma_start3A_30] : memref<10240x128xf32, #tpu.memory_space<vmem_shared>> -> memref<128x128xf32, #tpu.memory_space<vmem_shared>>
      tpu.enqueue_dma source(%arg9 : memref<128x128xf32, #tpu.memory_space<vmem>>) target(%dma_start3A_31 : memref<128x128xf32, #tpu.memory_space<vmem_shared>>) target_semaphore(%run_scoped3A : memref<!tpu.dma_semaphore, #tpu.memory_space<semaphore_mem>>)
      %dma_wait3A = arith.constant 0 : i32
      %dma_wait3A_32 = tpu.memref_slice %arg11[%add3A_8, %dma_wait3A] : memref<10240x128xf32, #tpu.memory_space<vmem_shared>> -> memref<128x128xf32, #tpu.memory_space<vmem_shared>>
      %dma_wait3A_33 = arith.constant 0 : i32
      %dma_wait3A_34 = tpu.memref_slice %arg11[%add3A_8, %dma_wait3A_33] : memref<10240x128xf32, #tpu.memory_space<vmem_shared>> -> memref<128x128xf32, #tpu.memory_space<vmem_shared>>
      tpu.wait_dma2 semaphore(%run_scoped3A : memref<!tpu.dma_semaphore, #tpu.memory_space<semaphore_mem>>) src(%arg9 : memref<128x128xf32, #tpu.memory_space<vmem>>) dst(%dma_wait3A_34 : memref<128x128xf32, #tpu.memory_space<vmem_shared>>)
      tpu.yield
    }) : () -> ()
    %add3A_9 = arith.constant 384 : i32
    %add3A_10 = arith.addi %mul3A_2, %add3A_9 : i32
    "tpu.region"() ({
      %run_scoped3A = tpu.sem_alloc : memref<!tpu.dma_semaphore, #tpu.memory_space<semaphore_mem>>
      %dma_start3A = arith.constant 0 : i32
      %dma_start3A_29 = tpu.memref_slice %arg11[%add3A_10, %dma_start3A] : memref<10240x128xf32, #tpu.memory_space<vmem_shared>> -> memref<128x128xf32, #tpu.memory_space<vmem_shared>>
      %dma_start3A_30 = arith.constant 0 : i32
      %dma_start3A_31 = tpu.memref_slice %arg11[%add3A_10, %dma_start3A_30] : memref<10240x128xf32, #tpu.memory_space<vmem_shared>> -> memref<128x128xf32, #tpu.memory_space<vmem_shared>>
      tpu.enqueue_dma source(%arg9 : memref<128x128xf32, #tpu.memory_space<vmem>>) target(%dma_start3A_31 : memref<128x128xf32, #tpu.memory_space<vmem_shared>>) target_semaphore(%run_scoped3A : memref<!tpu.dma_semaphore, #tpu.memory_space<semaphore_mem>>)
      %dma_wait3A = arith.constant 0 : i32
      %dma_wait3A_32 = tpu.memref_slice %arg11[%add3A_10, %dma_wait3A] : memref<10240x128xf32, #tpu.memory_space<vmem_shared>> -> memref<128x128xf32, #tpu.memory_space<vmem_shared>>
      %dma_wait3A_33 = arith.constant 0 : i32
      %dma_wait3A_34 = tpu.memref_slice %arg11[%add3A_10, %dma_wait3A_33] : memref<10240x128xf32, #tpu.memory_space<vmem_shared>> -> memref<128x128xf32, #tpu.memory_space<vmem_shared>>
      tpu.wait_dma2 semaphore(%run_scoped3A : memref<!tpu.dma_semaphore, #tpu.memory_space<semaphore_mem>>) src(%arg9 : memref<128x128xf32, #tpu.memory_space<vmem>>) dst(%dma_wait3A_34 : memref<128x128xf32, #tpu.memory_space<vmem_shared>>)
      tpu.yield
    }) : () -> ()
    %add3A_11 = arith.constant 512 : i32
    %add3A_12 = arith.addi %mul3A_2, %add3A_11 : i32
    "tpu.region"() ({
      %run_scoped3A = tpu.sem_alloc : memref<!tpu.dma_semaphore, #tpu.memory_space<semaphore_mem>>
      %dma_start3A = arith.constant 0 : i32
      %dma_start3A_29 = tpu.memref_slice %arg11[%add3A_12, %dma_start3A] : memref<10240x128xf32, #tpu.memory_space<vmem_shared>> -> memref<128x128xf32, #tpu.memory_space<vmem_shared>>
      %dma_start3A_30 = arith.constant 0 : i32
      %dma_start3A_31 = tpu.memref_slice %arg11[%add3A_12, %dma_start3A_30] : memref<10240x128xf32, #tpu.memory_space<vmem_shared>> -> memref<128x128xf32, #tpu.memory_space<vmem_shared>>
      tpu.enqueue_dma source(%arg9 : memref<128x128xf32, #tpu.memory_space<vmem>>) target(%dma_start3A_31 : memref<128x128xf32, #tpu.memory_space<vmem_shared>>) target_semaphore(%run_scoped3A : memref<!tpu.dma_semaphore, #tpu.memory_space<semaphore_mem>>)
      %dma_wait3A = arith.constant 0 : i32
      %dma_wait3A_32 = tpu.memref_slice %arg11[%add3A_12, %dma_wait3A] : memref<10240x128xf32, #tpu.memory_space<vmem_shared>> -> memref<128x128xf32, #tpu.memory_space<vmem_shared>>
      %dma_wait3A_33 = arith.constant 0 : i32
      %dma_wait3A_34 = tpu.memref_slice %arg11[%add3A_12, %dma_wait3A_33] : memref<10240x128xf32, #tpu.memory_space<vmem_shared>> -> memref<128x128xf32, #tpu.memory_space<vmem_shared>>
      tpu.wait_dma2 semaphore(%run_scoped3A : memref<!tpu.dma_semaphore, #tpu.memory_space<semaphore_mem>>) src(%arg9 : memref<128x128xf32, #tpu.memory_space<vmem>>) dst(%dma_wait3A_34 : memref<128x128xf32, #tpu.memory_space<vmem_shared>>)
      tpu.yield
    }) : () -> ()
    %barrier3A = arith.constant 0 : index
    tpu.barrier barrier_id(%barrier3A)
    %scan3A = arith.constant 0 : i32
    %scan3A_13 = arith.constant 0 : i32
    %scan3A_14 = arith.constant 79 : i32
    %scan3A_15 = arith.addi %scan3A_13, %scan3A_14 : i32
    %scan3A_16 = arith.constant 1 : i32
    scf.for %scan3A_29 = %scan3A_13 to %scan3A_15 step %scan3A_16  : i32 {
      %mul3A_30 = arith.constant 10112 : i32
      %mul3A_31 = arith.muli %add3A, %mul3A_30 : i32
      %mul3A_32 = arith.constant 128 : i32
      %mul3A_33 = arith.muli %scan3A_29, %mul3A_32 : i32
      %add3A_34 = arith.addi %mul3A_31, %mul3A_33 : i32
      %multiple_of3A = tpu.assume_multiple %add3A_34, 128 : i32
      "tpu.region"() ({
        %run_scoped3A = tpu.sem_alloc : memref<!tpu.dma_semaphore, #tpu.memory_space<semaphore_mem>>
        %dma_start3A_39 = tpu.memref_slice %arg3[%multiple_of3A] : memref<323584xi32, #tpu.memory_space<hbm>> -> memref<128xi32, #tpu.memory_space<hbm>>
        %dma_start3A_40 = tpu.memref_slice %arg3[%multiple_of3A] : memref<323584xi32, #tpu.memory_space<hbm>> -> memref<128xi32, #tpu.memory_space<hbm>>
        tpu.enqueue_dma source(%dma_start3A_40 : memref<128xi32, #tpu.memory_space<hbm>>) target(%arg7 : memref<128xi32, #tpu.memory_space<vmem>>) target_semaphore(%run_scoped3A : memref<!tpu.dma_semaphore, #tpu.memory_space<semaphore_mem>>)
        %dma_wait3A_41 = tpu.memref_slice %arg3[%multiple_of3A] : memref<323584xi32, #tpu.memory_space<hbm>> -> memref<128xi32, #tpu.memory_space<hbm>>
        %dma_wait3A_42 = tpu.memref_slice %arg3[%multiple_of3A] : memref<323584xi32, #tpu.memory_space<hbm>> -> memref<128xi32, #tpu.memory_space<hbm>>
        tpu.wait_dma2 semaphore(%run_scoped3A : memref<!tpu.dma_semaphore, #tpu.memory_space<semaphore_mem>>) src(%dma_wait3A_42 : memref<128xi32, #tpu.memory_space<hbm>>) dst(%arg7 : memref<128xi32, #tpu.memory_space<vmem>>)
        tpu.yield
      }) : () -> ()
      "tpu.region"() ({
        %run_scoped3A = tpu.sem_alloc : memref<!tpu.dma_semaphore, #tpu.memory_space<semaphore_mem>>
        %dma_start3A_39 = tpu.memref_slice %arg4[%multiple_of3A] : memref<323584xi32, #tpu.memory_space<hbm>> -> memref<128xi32, #tpu.memory_space<hbm>>
        %dma_start3A_40 = tpu.memref_slice %arg4[%multiple_of3A] : memref<323584xi32, #tpu.memory_space<hbm>> -> memref<128xi32, #tpu.memory_space<hbm>>
        tpu.enqueue_dma source(%dma_start3A_40 : memref<128xi32, #tpu.memory_space<hbm>>) target(%arg8 : memref<128xi32, #tpu.memory_space<vmem>>) target_semaphore(%run_scoped3A : memref<!tpu.dma_semaphore, #tpu.memory_space<semaphore_mem>>)
        %dma_wait3A_41 = tpu.memref_slice %arg4[%multiple_of3A] : memref<323584xi32, #tpu.memory_space<hbm>> -> memref<128xi32, #tpu.memory_space<hbm>>
        %dma_wait3A_42 = tpu.memref_slice %arg4[%multiple_of3A] : memref<323584xi32, #tpu.memory_space<hbm>> -> memref<128xi32, #tpu.memory_space<hbm>>
        tpu.wait_dma2 semaphore(%run_scoped3A : memref<!tpu.dma_semaphore, #tpu.memory_space<semaphore_mem>>) src(%dma_wait3A_42 : memref<128xi32, #tpu.memory_space<hbm>>) dst(%arg8 : memref<128xi32, #tpu.memory_space<vmem>>)
        tpu.yield
      }) : () -> ()
      %dma_start3A = arith.constant 0 : i32
      %dma_start3A_35 = arith.constant 0 : i32
      %dma_start3A_36 = tpu.memref_slice %arg2[%dma_start3A, %dma_start3A_35] : memref<10000x128xf32, #tpu.memory_space<hbm>> -> memref<10000x128xf32, #tpu.memory_space<hbm>>
      tpu.enqueue_indirect_dma source(%dma_start3A_36 : memref<10000x128xf32, #tpu.memory_space<hbm>>) target(%arg9 : memref<128x128xf32, #tpu.memory_space<vmem>>) offsets(%arg7 : memref<128xi32, #tpu.memory_space<vmem>>) semaphore(%arg10 : memref<!tpu.dma_semaphore, #tpu.memory_space<semaphore_mem>>)
      %dma_wait3A = arith.constant 0 : i32
      %dma_wait3A_37 = arith.constant 0 : i32
      %dma_wait3A_38 = tpu.memref_slice %arg2[%dma_wait3A, %dma_wait3A_37] : memref<10000x128xf32, #tpu.memory_space<hbm>> -> memref<10000x128xf32, #tpu.memory_space<hbm>>
      tpu.wait_indirect_dma semaphore(%arg10 : memref<!tpu.dma_semaphore, #tpu.memory_space<semaphore_mem>>) src(%dma_wait3A_38 : memref<10000x128xf32, #tpu.memory_space<hbm>>) dst(%arg9 : memref<128x128xf32, #tpu.memory_space<vmem>>)
      "tpu.region"() ({
        %run_scoped3A = tpu.sem_alloc : memref<!tpu.dma_semaphore, #tpu.memory_space<semaphore_mem>>
        %dma_start3A_39 = arith.constant 0 : i32
        %dma_start3A_40 = arith.constant 0 : i32
        %dma_start3A_41 = tpu.memref_slice %arg11[%dma_start3A_39, %dma_start3A_40] : memref<10240x128xf32, #tpu.memory_space<vmem_shared>> -> memref<10240x128xf32, #tpu.memory_space<vmem_shared>>
        tpu.enqueue_indirect_dma source(%arg9 : memref<128x128xf32, #tpu.memory_space<vmem>>) target(%dma_start3A_41 : memref<10240x128xf32, #tpu.memory_space<vmem_shared>>) offsets(%arg8 : memref<128xi32, #tpu.memory_space<vmem>>) semaphore(%run_scoped3A : memref<!tpu.dma_semaphore, #tpu.memory_space<semaphore_mem>>) {add = true}
        %dma_wait3A_42 = arith.constant 0 : i32
        %dma_wait3A_43 = arith.constant 0 : i32
        %dma_wait3A_44 = tpu.memref_slice %arg11[%dma_wait3A_42, %dma_wait3A_43] : memref<10240x128xf32, #tpu.memory_space<vmem_shared>> -> memref<10240x128xf32, #tpu.memory_space<vmem_shared>>
        tpu.wait_indirect_dma semaphore(%run_scoped3A : memref<!tpu.dma_semaphore, #tpu.memory_space<semaphore_mem>>) src(%arg9 : memref<128x128xf32, #tpu.memory_space<vmem>>) dst(%dma_wait3A_44 : memref<10240x128xf32, #tpu.memory_space<vmem_shared>>)
        tpu.yield
      }) : () -> ()
    }
    %scan3A_17 = arith.constant 79 : i32
    %barrier3A_18 = arith.constant 0 : index
    tpu.barrier barrier_id(%barrier3A_18)
    %add3A_19 = arith.constant 0 : i32
    %add3A_20 = arith.addi %mul3A_2, %add3A_19 : i32
    "tpu.region"() ({
      %run_scoped3A = tpu.sem_alloc : memref<!tpu.dma_semaphore, #tpu.memory_space<semaphore_mem>>
      %dma_start3A = arith.constant 0 : i32
      %dma_start3A_29 = tpu.memref_slice %arg11[%add3A_20, %dma_start3A] : memref<10240x128xf32, #tpu.memory_space<vmem_shared>> -> memref<128x128xf32, #tpu.memory_space<vmem_shared>>
      %dma_start3A_30 = arith.constant 0 : i32
      %dma_start3A_31 = tpu.memref_slice %arg11[%add3A_20, %dma_start3A_30] : memref<10240x128xf32, #tpu.memory_space<vmem_shared>> -> memref<128x128xf32, #tpu.memory_space<vmem_shared>>
      tpu.enqueue_dma source(%dma_start3A_31 : memref<128x128xf32, #tpu.memory_space<vmem_shared>>) target(%arg9 : memref<128x128xf32, #tpu.memory_space<vmem>>) target_semaphore(%run_scoped3A : memref<!tpu.dma_semaphore, #tpu.memory_space<semaphore_mem>>)
      %dma_wait3A = arith.constant 0 : i32
      %dma_wait3A_32 = tpu.memref_slice %arg11[%add3A_20, %dma_wait3A] : memref<10240x128xf32, #tpu.memory_space<vmem_shared>> -> memref<128x128xf32, #tpu.memory_space<vmem_shared>>
      %dma_wait3A_33 = arith.constant 0 : i32
      %dma_wait3A_34 = tpu.memref_slice %arg11[%add3A_20, %dma_wait3A_33] : memref<10240x128xf32, #tpu.memory_space<vmem_shared>> -> memref<128x128xf32, #tpu.memory_space<vmem_shared>>
      tpu.wait_dma2 semaphore(%run_scoped3A : memref<!tpu.dma_semaphore, #tpu.memory_space<semaphore_mem>>) src(%dma_wait3A_34 : memref<128x128xf32, #tpu.memory_space<vmem_shared>>) dst(%arg9 : memref<128x128xf32, #tpu.memory_space<vmem>>)
      tpu.yield
    }) : () -> ()
    "tpu.region"() ({
      %run_scoped3A = tpu.sem_alloc : memref<!tpu.dma_semaphore, #tpu.memory_space<semaphore_mem>>
      %dma_start3A = arith.constant 0 : i32
      %dma_start3A_29 = tpu.memref_slice %arg6[%arg0, %add3A_20, %dma_start3A] : memref<2x10240x128xf32, #tpu.memory_space<hbm>> -> memref<1x128x128xf32, #tpu.memory_space<hbm>>
      %dma_start3A_30 = tpu.memref_squeeze %dma_start3A_29 : memref<1x128x128xf32, #tpu.memory_space<hbm>> -> memref<128x128xf32, #tpu.memory_space<hbm>>
      %dma_start3A_31 = arith.constant 0 : i32
      %dma_start3A_32 = tpu.memref_slice %arg6[%arg0, %add3A_20, %dma_start3A_31] : memref<2x10240x128xf32, #tpu.memory_space<hbm>> -> memref<1x128x128xf32, #tpu.memory_space<hbm>>
      %dma_start3A_33 = tpu.memref_squeeze %dma_start3A_32 : memref<1x128x128xf32, #tpu.memory_space<hbm>> -> memref<128x128xf32, #tpu.memory_space<hbm>>
      tpu.enqueue_dma source(%arg9 : memref<128x128xf32, #tpu.memory_space<vmem>>) target(%dma_start3A_33 : memref<128x128xf32, #tpu.memory_space<hbm>>) target_semaphore(%run_scoped3A : memref<!tpu.dma_semaphore, #tpu.memory_space<semaphore_mem>>)
      %dma_wait3A = arith.constant 0 : i32
      %dma_wait3A_34 = tpu.memref_slice %arg6[%arg0, %add3A_20, %dma_wait3A] : memref<2x10240x128xf32, #tpu.memory_space<hbm>> -> memref<1x128x128xf32, #tpu.memory_space<hbm>>
      %dma_wait3A_35 = tpu.memref_squeeze %dma_wait3A_34 : memref<1x128x128xf32, #tpu.memory_space<hbm>> -> memref<128x128xf32, #tpu.memory_space<hbm>>
      %dma_wait3A_36 = arith.constant 0 : i32
      %dma_wait3A_37 = tpu.memref_slice %arg6[%arg0, %add3A_20, %dma_wait3A_36] : memref<2x10240x128xf32, #tpu.memory_space<hbm>> -> memref<1x128x128xf32, #tpu.memory_space<hbm>>
      %dma_wait3A_38 = tpu.memref_squeeze %dma_wait3A_37 : memref<1x128x128xf32, #tpu.memory_space<hbm>> -> memref<128x128xf32, #tpu.memory_space<hbm>>
      tpu.wait_dma2 semaphore(%run_scoped3A : memref<!tpu.dma_semaphore, #tpu.memory_space<semaphore_mem>>) src(%arg9 : memref<128x128xf32, #tpu.memory_space<vmem>>) dst(%dma_wait3A_38 : memref<128x128xf32, #tpu.memory_space<hbm>>)
      tpu.yield
    }) : () -> ()
    %add3A_21 = arith.constant 128 : i32
    %add3A_22 = arith.addi %mul3A_2, %add3A_21 : i32
    "tpu.region"() ({
      %run_scoped3A = tpu.sem_alloc : memref<!tpu.dma_semaphore, #tpu.memory_space<semaphore_mem>>
      %dma_start3A = arith.constant 0 : i32
      %dma_start3A_29 = tpu.memref_slice %arg11[%add3A_22, %dma_start3A] : memref<10240x128xf32, #tpu.memory_space<vmem_shared>> -> memref<128x128xf32, #tpu.memory_space<vmem_shared>>
      %dma_start3A_30 = arith.constant 0 : i32
      %dma_start3A_31 = tpu.memref_slice %arg11[%add3A_22, %dma_start3A_30] : memref<10240x128xf32, #tpu.memory_space<vmem_shared>> -> memref<128x128xf32, #tpu.memory_space<vmem_shared>>
      tpu.enqueue_dma source(%dma_start3A_31 : memref<128x128xf32, #tpu.memory_space<vmem_shared>>) target(%arg9 : memref<128x128xf32, #tpu.memory_space<vmem>>) target_semaphore(%run_scoped3A : memref<!tpu.dma_semaphore, #tpu.memory_space<semaphore_mem>>)
      %dma_wait3A = arith.constant 0 : i32
      %dma_wait3A_32 = tpu.memref_slice %arg11[%add3A_22, %dma_wait3A] : memref<10240x128xf32, #tpu.memory_space<vmem_shared>> -> memref<128x128xf32, #tpu.memory_space<vmem_shared>>
      %dma_wait3A_33 = arith.constant 0 : i32
      %dma_wait3A_34 = tpu.memref_slice %arg11[%add3A_22, %dma_wait3A_33] : memref<10240x128xf32, #tpu.memory_space<vmem_shared>> -> memref<128x128xf32, #tpu.memory_space<vmem_shared>>
      tpu.wait_dma2 semaphore(%run_scoped3A : memref<!tpu.dma_semaphore, #tpu.memory_space<semaphore_mem>>) src(%dma_wait3A_34 : memref<128x128xf32, #tpu.memory_space<vmem_shared>>) dst(%arg9 : memref<128x128xf32, #tpu.memory_space<vmem>>)
      tpu.yield
    }) : () -> ()
    "tpu.region"() ({
      %run_scoped3A = tpu.sem_alloc : memref<!tpu.dma_semaphore, #tpu.memory_space<semaphore_mem>>
      %dma_start3A = arith.constant 0 : i32
      %dma_start3A_29 = tpu.memref_slice %arg6[%arg0, %add3A_22, %dma_start3A] : memref<2x10240x128xf32, #tpu.memory_space<hbm>> -> memref<1x128x128xf32, #tpu.memory_space<hbm>>
      %dma_start3A_30 = tpu.memref_squeeze %dma_start3A_29 : memref<1x128x128xf32, #tpu.memory_space<hbm>> -> memref<128x128xf32, #tpu.memory_space<hbm>>
      %dma_start3A_31 = arith.constant 0 : i32
      %dma_start3A_32 = tpu.memref_slice %arg6[%arg0, %add3A_22, %dma_start3A_31] : memref<2x10240x128xf32, #tpu.memory_space<hbm>> -> memref<1x128x128xf32, #tpu.memory_space<hbm>>
      %dma_start3A_33 = tpu.memref_squeeze %dma_start3A_32 : memref<1x128x128xf32, #tpu.memory_space<hbm>> -> memref<128x128xf32, #tpu.memory_space<hbm>>
      tpu.enqueue_dma source(%arg9 : memref<128x128xf32, #tpu.memory_space<vmem>>) target(%dma_start3A_33 : memref<128x128xf32, #tpu.memory_space<hbm>>) target_semaphore(%run_scoped3A : memref<!tpu.dma_semaphore, #tpu.memory_space<semaphore_mem>>)
      %dma_wait3A = arith.constant 0 : i32
      %dma_wait3A_34 = tpu.memref_slice %arg6[%arg0, %add3A_22, %dma_wait3A] : memref<2x10240x128xf32, #tpu.memory_space<hbm>> -> memref<1x128x128xf32, #tpu.memory_space<hbm>>
      %dma_wait3A_35 = tpu.memref_squeeze %dma_wait3A_34 : memref<1x128x128xf32, #tpu.memory_space<hbm>> -> memref<128x128xf32, #tpu.memory_space<hbm>>
      %dma_wait3A_36 = arith.constant 0 : i32
      %dma_wait3A_37 = tpu.memref_slice %arg6[%arg0, %add3A_22, %dma_wait3A_36] : memref<2x10240x128xf32, #tpu.memory_space<hbm>> -> memref<1x128x128xf32, #tpu.memory_space<hbm>>
      %dma_wait3A_38 = tpu.memref_squeeze %dma_wait3A_37 : memref<1x128x128xf32, #tpu.memory_space<hbm>> -> memref<128x128xf32, #tpu.memory_space<hbm>>
      tpu.wait_dma2 semaphore(%run_scoped3A : memref<!tpu.dma_semaphore, #tpu.memory_space<semaphore_mem>>) src(%arg9 : memref<128x128xf32, #tpu.memory_space<vmem>>) dst(%dma_wait3A_38 : memref<128x128xf32, #tpu.memory_space<hbm>>)
      tpu.yield
    }) : () -> ()
    %add3A_23 = arith.constant 256 : i32
    %add3A_24 = arith.addi %mul3A_2, %add3A_23 : i32
    "tpu.region"() ({
      %run_scoped3A = tpu.sem_alloc : memref<!tpu.dma_semaphore, #tpu.memory_space<semaphore_mem>>
      %dma_start3A = arith.constant 0 : i32
      %dma_start3A_29 = tpu.memref_slice %arg11[%add3A_24, %dma_start3A] : memref<10240x128xf32, #tpu.memory_space<vmem_shared>> -> memref<128x128xf32, #tpu.memory_space<vmem_shared>>
      %dma_start3A_30 = arith.constant 0 : i32
      %dma_start3A_31 = tpu.memref_slice %arg11[%add3A_24, %dma_start3A_30] : memref<10240x128xf32, #tpu.memory_space<vmem_shared>> -> memref<128x128xf32, #tpu.memory_space<vmem_shared>>
      tpu.enqueue_dma source(%dma_start3A_31 : memref<128x128xf32, #tpu.memory_space<vmem_shared>>) target(%arg9 : memref<128x128xf32, #tpu.memory_space<vmem>>) target_semaphore(%run_scoped3A : memref<!tpu.dma_semaphore, #tpu.memory_space<semaphore_mem>>)
      %dma_wait3A = arith.constant 0 : i32
      %dma_wait3A_32 = tpu.memref_slice %arg11[%add3A_24, %dma_wait3A] : memref<10240x128xf32, #tpu.memory_space<vmem_shared>> -> memref<128x128xf32, #tpu.memory_space<vmem_shared>>
      %dma_wait3A_33 = arith.constant 0 : i32
      %dma_wait3A_34 = tpu.memref_slice %arg11[%add3A_24, %dma_wait3A_33] : memref<10240x128xf32, #tpu.memory_space<vmem_shared>> -> memref<128x128xf32, #tpu.memory_space<vmem_shared>>
      tpu.wait_dma2 semaphore(%run_scoped3A : memref<!tpu.dma_semaphore, #tpu.memory_space<semaphore_mem>>) src(%dma_wait3A_34 : memref<128x128xf32, #tpu.memory_space<vmem_shared>>) dst(%arg9 : memref<128x128xf32, #tpu.memory_space<vmem>>)
      tpu.yield
    }) : () -> ()
    "tpu.region"() ({
      %run_scoped3A = tpu.sem_alloc : memref<!tpu.dma_semaphore, #tpu.memory_space<semaphore_mem>>
      %dma_start3A = arith.constant 0 : i32
      %dma_start3A_29 = tpu.memref_slice %arg6[%arg0, %add3A_24, %dma_start3A] : memref<2x10240x128xf32, #tpu.memory_space<hbm>> -> memref<1x128x128xf32, #tpu.memory_space<hbm>>
      %dma_start3A_30 = tpu.memref_squeeze %dma_start3A_29 : memref<1x128x128xf32, #tpu.memory_space<hbm>> -> memref<128x128xf32, #tpu.memory_space<hbm>>
      %dma_start3A_31 = arith.constant 0 : i32
      %dma_start3A_32 = tpu.memref_slice %arg6[%arg0, %add3A_24, %dma_start3A_31] : memref<2x10240x128xf32, #tpu.memory_space<hbm>> -> memref<1x128x128xf32, #tpu.memory_space<hbm>>
      %dma_start3A_33 = tpu.memref_squeeze %dma_start3A_32 : memref<1x128x128xf32, #tpu.memory_space<hbm>> -> memref<128x128xf32, #tpu.memory_space<hbm>>
      tpu.enqueue_dma source(%arg9 : memref<128x128xf32, #tpu.memory_space<vmem>>) target(%dma_start3A_33 : memref<128x128xf32, #tpu.memory_space<hbm>>) target_semaphore(%run_scoped3A : memref<!tpu.dma_semaphore, #tpu.memory_space<semaphore_mem>>)
      %dma_wait3A = arith.constant 0 : i32
      %dma_wait3A_34 = tpu.memref_slice %arg6[%arg0, %add3A_24, %dma_wait3A] : memref<2x10240x128xf32, #tpu.memory_space<hbm>> -> memref<1x128x128xf32, #tpu.memory_space<hbm>>
      %dma_wait3A_35 = tpu.memref_squeeze %dma_wait3A_34 : memref<1x128x128xf32, #tpu.memory_space<hbm>> -> memref<128x128xf32, #tpu.memory_space<hbm>>
      %dma_wait3A_36 = arith.constant 0 : i32
      %dma_wait3A_37 = tpu.memref_slice %arg6[%arg0, %add3A_24, %dma_wait3A_36] : memref<2x10240x128xf32, #tpu.memory_space<hbm>> -> memref<1x128x128xf32, #tpu.memory_space<hbm>>
      %dma_wait3A_38 = tpu.memref_squeeze %dma_wait3A_37 : memref<1x128x128xf32, #tpu.memory_space<hbm>> -> memref<128x128xf32, #tpu.memory_space<hbm>>
      tpu.wait_dma2 semaphore(%run_scoped3A : memref<!tpu.dma_semaphore, #tpu.memory_space<semaphore_mem>>) src(%arg9 : memref<128x128xf32, #tpu.memory_space<vmem>>) dst(%dma_wait3A_38 : memref<128x128xf32, #tpu.memory_space<hbm>>)
      tpu.yield
    }) : () -> ()
    %add3A_25 = arith.constant 384 : i32
    %add3A_26 = arith.addi %mul3A_2, %add3A_25 : i32
    "tpu.region"() ({
      %run_scoped3A = tpu.sem_alloc : memref<!tpu.dma_semaphore, #tpu.memory_space<semaphore_mem>>
      %dma_start3A = arith.constant 0 : i32
      %dma_start3A_29 = tpu.memref_slice %arg11[%add3A_26, %dma_start3A] : memref<10240x128xf32, #tpu.memory_space<vmem_shared>> -> memref<128x128xf32, #tpu.memory_space<vmem_shared>>
      %dma_start3A_30 = arith.constant 0 : i32
      %dma_start3A_31 = tpu.memref_slice %arg11[%add3A_26, %dma_start3A_30] : memref<10240x128xf32, #tpu.memory_space<vmem_shared>> -> memref<128x128xf32, #tpu.memory_space<vmem_shared>>
      tpu.enqueue_dma source(%dma_start3A_31 : memref<128x128xf32, #tpu.memory_space<vmem_shared>>) target(%arg9 : memref<128x128xf32, #tpu.memory_space<vmem>>) target_semaphore(%run_scoped3A : memref<!tpu.dma_semaphore, #tpu.memory_space<semaphore_mem>>)
      %dma_wait3A = arith.constant 0 : i32
      %dma_wait3A_32 = tpu.memref_slice %arg11[%add3A_26, %dma_wait3A] : memref<10240x128xf32, #tpu.memory_space<vmem_shared>> -> memref<128x128xf32, #tpu.memory_space<vmem_shared>>
      %dma_wait3A_33 = arith.constant 0 : i32
      %dma_wait3A_34 = tpu.memref_slice %arg11[%add3A_26, %dma_wait3A_33] : memref<10240x128xf32, #tpu.memory_space<vmem_shared>> -> memref<128x128xf32, #tpu.memory_space<vmem_shared>>
      tpu.wait_dma2 semaphore(%run_scoped3A : memref<!tpu.dma_semaphore, #tpu.memory_space<semaphore_mem>>) src(%dma_wait3A_34 : memref<128x128xf32, #tpu.memory_space<vmem_shared>>) dst(%arg9 : memref<128x128xf32, #tpu.memory_space<vmem>>)
      tpu.yield
    }) : () -> ()
    "tpu.region"() ({
      %run_scoped3A = tpu.sem_alloc : memref<!tpu.dma_semaphore, #tpu.memory_space<semaphore_mem>>
      %dma_start3A = arith.constant 0 : i32
      %dma_start3A_29 = tpu.memref_slice %arg6[%arg0, %add3A_26, %dma_start3A] : memref<2x10240x128xf32, #tpu.memory_space<hbm>> -> memref<1x128x128xf32, #tpu.memory_space<hbm>>
      %dma_start3A_30 = tpu.memref_squeeze %dma_start3A_29 : memref<1x128x128xf32, #tpu.memory_space<hbm>> -> memref<128x128xf32, #tpu.memory_space<hbm>>
      %dma_start3A_31 = arith.constant 0 : i32
      %dma_start3A_32 = tpu.memref_slice %arg6[%arg0, %add3A_26, %dma_start3A_31] : memref<2x10240x128xf32, #tpu.memory_space<hbm>> -> memref<1x128x128xf32, #tpu.memory_space<hbm>>
      %dma_start3A_33 = tpu.memref_squeeze %dma_start3A_32 : memref<1x128x128xf32, #tpu.memory_space<hbm>> -> memref<128x128xf32, #tpu.memory_space<hbm>>
      tpu.enqueue_dma source(%arg9 : memref<128x128xf32, #tpu.memory_space<vmem>>) target(%dma_start3A_33 : memref<128x128xf32, #tpu.memory_space<hbm>>) target_semaphore(%run_scoped3A : memref<!tpu.dma_semaphore, #tpu.memory_space<semaphore_mem>>)
      %dma_wait3A = arith.constant 0 : i32
      %dma_wait3A_34 = tpu.memref_slice %arg6[%arg0, %add3A_26, %dma_wait3A] : memref<2x10240x128xf32, #tpu.memory_space<hbm>> -> memref<1x128x128xf32, #tpu.memory_space<hbm>>
      %dma_wait3A_35 = tpu.memref_squeeze %dma_wait3A_34 : memref<1x128x128xf32, #tpu.memory_space<hbm>> -> memref<128x128xf32, #tpu.memory_space<hbm>>
      %dma_wait3A_36 = arith.constant 0 : i32
      %dma_wait3A_37 = tpu.memref_slice %arg6[%arg0, %add3A_26, %dma_wait3A_36] : memref<2x10240x128xf32, #tpu.memory_space<hbm>> -> memref<1x128x128xf32, #tpu.memory_space<hbm>>
      %dma_wait3A_38 = tpu.memref_squeeze %dma_wait3A_37 : memref<1x128x128xf32, #tpu.memory_space<hbm>> -> memref<128x128xf32, #tpu.memory_space<hbm>>
      tpu.wait_dma2 semaphore(%run_scoped3A : memref<!tpu.dma_semaphore, #tpu.memory_space<semaphore_mem>>) src(%arg9 : memref<128x128xf32, #tpu.memory_space<vmem>>) dst(%dma_wait3A_38 : memref<128x128xf32, #tpu.memory_space<hbm>>)
      tpu.yield
    }) : () -> ()
    %add3A_27 = arith.constant 512 : i32
    %add3A_28 = arith.addi %mul3A_2, %add3A_27 : i32
    "tpu.region"() ({
      %run_scoped3A = tpu.sem_alloc : memref<!tpu.dma_semaphore, #tpu.memory_space<semaphore_mem>>
      %dma_start3A = arith.constant 0 : i32
      %dma_start3A_29 = tpu.memref_slice %arg11[%add3A_28, %dma_start3A] : memref<10240x128xf32, #tpu.memory_space<vmem_shared>> -> memref<128x128xf32, #tpu.memory_space<vmem_shared>>
      %dma_start3A_30 = arith.constant 0 : i32
      %dma_start3A_31 = tpu.memref_slice %arg11[%add3A_28, %dma_start3A_30] : memref<10240x128xf32, #tpu.memory_space<vmem_shared>> -> memref<128x128xf32, #tpu.memory_space<vmem_shared>>
      tpu.enqueue_dma source(%dma_start3A_31 : memref<128x128xf32, #tpu.memory_space<vmem_shared>>) target(%arg9 : memref<128x128xf32, #tpu.memory_space<vmem>>) target_semaphore(%run_scoped3A : memref<!tpu.dma_semaphore, #tpu.memory_space<semaphore_mem>>)
      %dma_wait3A = arith.constant 0 : i32
      %dma_wait3A_32 = tpu.memref_slice %arg11[%add3A_28, %dma_wait3A] : memref<10240x128xf32, #tpu.memory_space<vmem_shared>> -> memref<128x128xf32, #tpu.memory_space<vmem_shared>>
      %dma_wait3A_33 = arith.constant 0 : i32
      %dma_wait3A_34 = tpu.memref_slice %arg11[%add3A_28, %dma_wait3A_33] : memref<10240x128xf32, #tpu.memory_space<vmem_shared>> -> memref<128x128xf32, #tpu.memory_space<vmem_shared>>
      tpu.wait_dma2 semaphore(%run_scoped3A : memref<!tpu.dma_semaphore, #tpu.memory_space<semaphore_mem>>) src(%dma_wait3A_34 : memref<128x128xf32, #tpu.memory_space<vmem_shared>>) dst(%arg9 : memref<128x128xf32, #tpu.memory_space<vmem>>)
      tpu.yield
    }) : () -> ()
    "tpu.region"() ({
      %run_scoped3A = tpu.sem_alloc : memref<!tpu.dma_semaphore, #tpu.memory_space<semaphore_mem>>
      %dma_start3A = arith.constant 0 : i32
      %dma_start3A_29 = tpu.memref_slice %arg6[%arg0, %add3A_28, %dma_start3A] : memref<2x10240x128xf32, #tpu.memory_space<hbm>> -> memref<1x128x128xf32, #tpu.memory_space<hbm>>
      %dma_start3A_30 = tpu.memref_squeeze %dma_start3A_29 : memref<1x128x128xf32, #tpu.memory_space<hbm>> -> memref<128x128xf32, #tpu.memory_space<hbm>>
      %dma_start3A_31 = arith.constant 0 : i32
      %dma_start3A_32 = tpu.memref_slice %arg6[%arg0, %add3A_28, %dma_start3A_31] : memref<2x10240x128xf32, #tpu.memory_space<hbm>> -> memref<1x128x128xf32, #tpu.memory_space<hbm>>
      %dma_start3A_33 = tpu.memref_squeeze %dma_start3A_32 : memref<1x128x128xf32, #tpu.memory_space<hbm>> -> memref<128x128xf32, #tpu.memory_space<hbm>>
      tpu.enqueue_dma source(%arg9 : memref<128x128xf32, #tpu.memory_space<vmem>>) target(%dma_start3A_33 : memref<128x128xf32, #tpu.memory_space<hbm>>) target_semaphore(%run_scoped3A : memref<!tpu.dma_semaphore, #tpu.memory_space<semaphore_mem>>)
      %dma_wait3A = arith.constant 0 : i32
      %dma_wait3A_34 = tpu.memref_slice %arg6[%arg0, %add3A_28, %dma_wait3A] : memref<2x10240x128xf32, #tpu.memory_space<hbm>> -> memref<1x128x128xf32, #tpu.memory_space<hbm>>
      %dma_wait3A_35 = tpu.memref_squeeze %dma_wait3A_34 : memref<1x128x128xf32, #tpu.memory_space<hbm>> -> memref<128x128xf32, #tpu.memory_space<hbm>>
      %dma_wait3A_36 = arith.constant 0 : i32
      %dma_wait3A_37 = tpu.memref_slice %arg6[%arg0, %add3A_28, %dma_wait3A_36] : memref<2x10240x128xf32, #tpu.memory_space<hbm>> -> memref<1x128x128xf32, #tpu.memory_space<hbm>>
      %dma_wait3A_38 = tpu.memref_squeeze %dma_wait3A_37 : memref<1x128x128xf32, #tpu.memory_space<hbm>> -> memref<128x128xf32, #tpu.memory_space<hbm>>
      tpu.wait_dma2 semaphore(%run_scoped3A : memref<!tpu.dma_semaphore, #tpu.memory_space<semaphore_mem>>) src(%arg9 : memref<128x128xf32, #tpu.memory_space<vmem>>) dst(%dma_wait3A_38 : memref<128x128xf32, #tpu.memory_space<hbm>>)
      tpu.yield
    }) : () -> ()
    return
  }
}

#map = affine_map<(d0, d1) -> (0)>
#map1 = affine_map<(d0, d1) -> (0, 0)>
#map2 = affine_map<(d0, d1) -> (0, 0, 0)>
module attributes {stable_mosaic.version = 14 : i64} {
  func.func @_seg_deg(%arg0: i32, %arg1: i32, %arg2: memref<323584xi32, #tpu.memory_space<hbm>>, %arg3: memref<128x128xf32, #tpu.memory_space<hbm>>, %arg4: memref<128x128xf32, #tpu.memory_space<hbm>>, %arg5: memref<2x10240x128xf32, #tpu.memory_space<hbm>>, %arg6: memref<128xi32, #tpu.memory_space<vmem>>, %arg7: memref<128x128xf32, #tpu.memory_space<vmem>>, %arg8: memref<128x128xf32, #tpu.memory_space<vmem>>, %arg9: memref<10240x128xf32, #tpu.memory_space<vmem_shared>>) attributes {dimension_semantics = [#tpu.dimension_semantics<core_parallel>, #tpu.dimension_semantics<subcore_parallel>], iteration_bounds = array<i64: 2, 16>, scalar_prefetch = 0 : i64, scratch_operands = 4 : i64, tpu.core_type = #tpu.core_type<sc_vector_subcore>, window_params = [{transform_indices = #map}, {transform_indices = #map1}, {transform_indices = #map1}, {transform_indices = #map2}]} {
    %mul3A = arith.constant 2 : i32
    %mul3A_0 = arith.muli %arg1, %mul3A : i32
    %add3A = arith.addi %mul3A_0, %arg0 : i32
    %mul3A_1 = arith.constant 640 : i32
    %mul3A_2 = arith.muli %arg1, %mul3A_1 : i32
    "tpu.region"() ({
      %run_scoped3A = tpu.sem_alloc : memref<!tpu.dma_semaphore, #tpu.memory_space<semaphore_mem>>
      tpu.enqueue_dma source(%arg3 : memref<128x128xf32, #tpu.memory_space<hbm>>) target(%arg8 : memref<128x128xf32, #tpu.memory_space<vmem>>) target_semaphore(%run_scoped3A : memref<!tpu.dma_semaphore, #tpu.memory_space<semaphore_mem>>)
      tpu.wait_dma2 semaphore(%run_scoped3A : memref<!tpu.dma_semaphore, #tpu.memory_space<semaphore_mem>>) src(%arg3 : memref<128x128xf32, #tpu.memory_space<hbm>>) dst(%arg8 : memref<128x128xf32, #tpu.memory_space<vmem>>)
      tpu.yield
    }) : () -> ()
    %add3A_3 = arith.constant 0 : i32
    %add3A_4 = arith.addi %mul3A_2, %add3A_3 : i32
    "tpu.region"() ({
      %run_scoped3A = tpu.sem_alloc : memref<!tpu.dma_semaphore, #tpu.memory_space<semaphore_mem>>
      %dma_start3A = arith.constant 0 : i32
      %dma_start3A_29 = tpu.memref_slice %arg9[%add3A_4, %dma_start3A] : memref<10240x128xf32, #tpu.memory_space<vmem_shared>> -> memref<128x128xf32, #tpu.memory_space<vmem_shared>>
      %dma_start3A_30 = arith.constant 0 : i32
      %dma_start3A_31 = tpu.memref_slice %arg9[%add3A_4, %dma_start3A_30] : memref<10240x128xf32, #tpu.memory_space<vmem_shared>> -> memref<128x128xf32, #tpu.memory_space<vmem_shared>>
      tpu.enqueue_dma source(%arg8 : memref<128x128xf32, #tpu.memory_space<vmem>>) target(%dma_start3A_31 : memref<128x128xf32, #tpu.memory_space<vmem_shared>>) target_semaphore(%run_scoped3A : memref<!tpu.dma_semaphore, #tpu.memory_space<semaphore_mem>>)
      %dma_wait3A = arith.constant 0 : i32
      %dma_wait3A_32 = tpu.memref_slice %arg9[%add3A_4, %dma_wait3A] : memref<10240x128xf32, #tpu.memory_space<vmem_shared>> -> memref<128x128xf32, #tpu.memory_space<vmem_shared>>
      %dma_wait3A_33 = arith.constant 0 : i32
      %dma_wait3A_34 = tpu.memref_slice %arg9[%add3A_4, %dma_wait3A_33] : memref<10240x128xf32, #tpu.memory_space<vmem_shared>> -> memref<128x128xf32, #tpu.memory_space<vmem_shared>>
      tpu.wait_dma2 semaphore(%run_scoped3A : memref<!tpu.dma_semaphore, #tpu.memory_space<semaphore_mem>>) src(%arg8 : memref<128x128xf32, #tpu.memory_space<vmem>>) dst(%dma_wait3A_34 : memref<128x128xf32, #tpu.memory_space<vmem_shared>>)
      tpu.yield
    }) : () -> ()
    %add3A_5 = arith.constant 128 : i32
    %add3A_6 = arith.addi %mul3A_2, %add3A_5 : i32
    "tpu.region"() ({
      %run_scoped3A = tpu.sem_alloc : memref<!tpu.dma_semaphore, #tpu.memory_space<semaphore_mem>>
      %dma_start3A = arith.constant 0 : i32
      %dma_start3A_29 = tpu.memref_slice %arg9[%add3A_6, %dma_start3A] : memref<10240x128xf32, #tpu.memory_space<vmem_shared>> -> memref<128x128xf32, #tpu.memory_space<vmem_shared>>
      %dma_start3A_30 = arith.constant 0 : i32
      %dma_start3A_31 = tpu.memref_slice %arg9[%add3A_6, %dma_start3A_30] : memref<10240x128xf32, #tpu.memory_space<vmem_shared>> -> memref<128x128xf32, #tpu.memory_space<vmem_shared>>
      tpu.enqueue_dma source(%arg8 : memref<128x128xf32, #tpu.memory_space<vmem>>) target(%dma_start3A_31 : memref<128x128xf32, #tpu.memory_space<vmem_shared>>) target_semaphore(%run_scoped3A : memref<!tpu.dma_semaphore, #tpu.memory_space<semaphore_mem>>)
      %dma_wait3A = arith.constant 0 : i32
      %dma_wait3A_32 = tpu.memref_slice %arg9[%add3A_6, %dma_wait3A] : memref<10240x128xf32, #tpu.memory_space<vmem_shared>> -> memref<128x128xf32, #tpu.memory_space<vmem_shared>>
      %dma_wait3A_33 = arith.constant 0 : i32
      %dma_wait3A_34 = tpu.memref_slice %arg9[%add3A_6, %dma_wait3A_33] : memref<10240x128xf32, #tpu.memory_space<vmem_shared>> -> memref<128x128xf32, #tpu.memory_space<vmem_shared>>
      tpu.wait_dma2 semaphore(%run_scoped3A : memref<!tpu.dma_semaphore, #tpu.memory_space<semaphore_mem>>) src(%arg8 : memref<128x128xf32, #tpu.memory_space<vmem>>) dst(%dma_wait3A_34 : memref<128x128xf32, #tpu.memory_space<vmem_shared>>)
      tpu.yield
    }) : () -> ()
    %add3A_7 = arith.constant 256 : i32
    %add3A_8 = arith.addi %mul3A_2, %add3A_7 : i32
    "tpu.region"() ({
      %run_scoped3A = tpu.sem_alloc : memref<!tpu.dma_semaphore, #tpu.memory_space<semaphore_mem>>
      %dma_start3A = arith.constant 0 : i32
      %dma_start3A_29 = tpu.memref_slice %arg9[%add3A_8, %dma_start3A] : memref<10240x128xf32, #tpu.memory_space<vmem_shared>> -> memref<128x128xf32, #tpu.memory_space<vmem_shared>>
      %dma_start3A_30 = arith.constant 0 : i32
      %dma_start3A_31 = tpu.memref_slice %arg9[%add3A_8, %dma_start3A_30] : memref<10240x128xf32, #tpu.memory_space<vmem_shared>> -> memref<128x128xf32, #tpu.memory_space<vmem_shared>>
      tpu.enqueue_dma source(%arg8 : memref<128x128xf32, #tpu.memory_space<vmem>>) target(%dma_start3A_31 : memref<128x128xf32, #tpu.memory_space<vmem_shared>>) target_semaphore(%run_scoped3A : memref<!tpu.dma_semaphore, #tpu.memory_space<semaphore_mem>>)
      %dma_wait3A = arith.constant 0 : i32
      %dma_wait3A_32 = tpu.memref_slice %arg9[%add3A_8, %dma_wait3A] : memref<10240x128xf32, #tpu.memory_space<vmem_shared>> -> memref<128x128xf32, #tpu.memory_space<vmem_shared>>
      %dma_wait3A_33 = arith.constant 0 : i32
      %dma_wait3A_34 = tpu.memref_slice %arg9[%add3A_8, %dma_wait3A_33] : memref<10240x128xf32, #tpu.memory_space<vmem_shared>> -> memref<128x128xf32, #tpu.memory_space<vmem_shared>>
      tpu.wait_dma2 semaphore(%run_scoped3A : memref<!tpu.dma_semaphore, #tpu.memory_space<semaphore_mem>>) src(%arg8 : memref<128x128xf32, #tpu.memory_space<vmem>>) dst(%dma_wait3A_34 : memref<128x128xf32, #tpu.memory_space<vmem_shared>>)
      tpu.yield
    }) : () -> ()
    %add3A_9 = arith.constant 384 : i32
    %add3A_10 = arith.addi %mul3A_2, %add3A_9 : i32
    "tpu.region"() ({
      %run_scoped3A = tpu.sem_alloc : memref<!tpu.dma_semaphore, #tpu.memory_space<semaphore_mem>>
      %dma_start3A = arith.constant 0 : i32
      %dma_start3A_29 = tpu.memref_slice %arg9[%add3A_10, %dma_start3A] : memref<10240x128xf32, #tpu.memory_space<vmem_shared>> -> memref<128x128xf32, #tpu.memory_space<vmem_shared>>
      %dma_start3A_30 = arith.constant 0 : i32
      %dma_start3A_31 = tpu.memref_slice %arg9[%add3A_10, %dma_start3A_30] : memref<10240x128xf32, #tpu.memory_space<vmem_shared>> -> memref<128x128xf32, #tpu.memory_space<vmem_shared>>
      tpu.enqueue_dma source(%arg8 : memref<128x128xf32, #tpu.memory_space<vmem>>) target(%dma_start3A_31 : memref<128x128xf32, #tpu.memory_space<vmem_shared>>) target_semaphore(%run_scoped3A : memref<!tpu.dma_semaphore, #tpu.memory_space<semaphore_mem>>)
      %dma_wait3A = arith.constant 0 : i32
      %dma_wait3A_32 = tpu.memref_slice %arg9[%add3A_10, %dma_wait3A] : memref<10240x128xf32, #tpu.memory_space<vmem_shared>> -> memref<128x128xf32, #tpu.memory_space<vmem_shared>>
      %dma_wait3A_33 = arith.constant 0 : i32
      %dma_wait3A_34 = tpu.memref_slice %arg9[%add3A_10, %dma_wait3A_33] : memref<10240x128xf32, #tpu.memory_space<vmem_shared>> -> memref<128x128xf32, #tpu.memory_space<vmem_shared>>
      tpu.wait_dma2 semaphore(%run_scoped3A : memref<!tpu.dma_semaphore, #tpu.memory_space<semaphore_mem>>) src(%arg8 : memref<128x128xf32, #tpu.memory_space<vmem>>) dst(%dma_wait3A_34 : memref<128x128xf32, #tpu.memory_space<vmem_shared>>)
      tpu.yield
    }) : () -> ()
    %add3A_11 = arith.constant 512 : i32
    %add3A_12 = arith.addi %mul3A_2, %add3A_11 : i32
    "tpu.region"() ({
      %run_scoped3A = tpu.sem_alloc : memref<!tpu.dma_semaphore, #tpu.memory_space<semaphore_mem>>
      %dma_start3A = arith.constant 0 : i32
      %dma_start3A_29 = tpu.memref_slice %arg9[%add3A_12, %dma_start3A] : memref<10240x128xf32, #tpu.memory_space<vmem_shared>> -> memref<128x128xf32, #tpu.memory_space<vmem_shared>>
      %dma_start3A_30 = arith.constant 0 : i32
      %dma_start3A_31 = tpu.memref_slice %arg9[%add3A_12, %dma_start3A_30] : memref<10240x128xf32, #tpu.memory_space<vmem_shared>> -> memref<128x128xf32, #tpu.memory_space<vmem_shared>>
      tpu.enqueue_dma source(%arg8 : memref<128x128xf32, #tpu.memory_space<vmem>>) target(%dma_start3A_31 : memref<128x128xf32, #tpu.memory_space<vmem_shared>>) target_semaphore(%run_scoped3A : memref<!tpu.dma_semaphore, #tpu.memory_space<semaphore_mem>>)
      %dma_wait3A = arith.constant 0 : i32
      %dma_wait3A_32 = tpu.memref_slice %arg9[%add3A_12, %dma_wait3A] : memref<10240x128xf32, #tpu.memory_space<vmem_shared>> -> memref<128x128xf32, #tpu.memory_space<vmem_shared>>
      %dma_wait3A_33 = arith.constant 0 : i32
      %dma_wait3A_34 = tpu.memref_slice %arg9[%add3A_12, %dma_wait3A_33] : memref<10240x128xf32, #tpu.memory_space<vmem_shared>> -> memref<128x128xf32, #tpu.memory_space<vmem_shared>>
      tpu.wait_dma2 semaphore(%run_scoped3A : memref<!tpu.dma_semaphore, #tpu.memory_space<semaphore_mem>>) src(%arg8 : memref<128x128xf32, #tpu.memory_space<vmem>>) dst(%dma_wait3A_34 : memref<128x128xf32, #tpu.memory_space<vmem_shared>>)
      tpu.yield
    }) : () -> ()
    "tpu.region"() ({
      %run_scoped3A = tpu.sem_alloc : memref<!tpu.dma_semaphore, #tpu.memory_space<semaphore_mem>>
      tpu.enqueue_dma source(%arg4 : memref<128x128xf32, #tpu.memory_space<hbm>>) target(%arg7 : memref<128x128xf32, #tpu.memory_space<vmem>>) target_semaphore(%run_scoped3A : memref<!tpu.dma_semaphore, #tpu.memory_space<semaphore_mem>>)
      tpu.wait_dma2 semaphore(%run_scoped3A : memref<!tpu.dma_semaphore, #tpu.memory_space<semaphore_mem>>) src(%arg4 : memref<128x128xf32, #tpu.memory_space<hbm>>) dst(%arg7 : memref<128x128xf32, #tpu.memory_space<vmem>>)
      tpu.yield
    }) : () -> ()
    %barrier3A = arith.constant 0 : index
    tpu.barrier barrier_id(%barrier3A)
    %scan3A = arith.constant 0 : i32
    %scan3A_13 = arith.constant 0 : i32
    %scan3A_14 = arith.constant 79 : i32
    %scan3A_15 = arith.addi %scan3A_13, %scan3A_14 : i32
    %scan3A_16 = arith.constant 1 : i32
    scf.for %scan3A_29 = %scan3A_13 to %scan3A_15 step %scan3A_16  : i32 {
      %mul3A_30 = arith.constant 10112 : i32
      %mul3A_31 = arith.muli %add3A, %mul3A_30 : i32
      %mul3A_32 = arith.constant 128 : i32
      %mul3A_33 = arith.muli %scan3A_29, %mul3A_32 : i32
      %add3A_34 = arith.addi %mul3A_31, %mul3A_33 : i32
      %multiple_of3A = tpu.assume_multiple %add3A_34, 128 : i32
      "tpu.region"() ({
        %run_scoped3A = tpu.sem_alloc : memref<!tpu.dma_semaphore, #tpu.memory_space<semaphore_mem>>
        %dma_start3A = tpu.memref_slice %arg2[%multiple_of3A] : memref<323584xi32, #tpu.memory_space<hbm>> -> memref<128xi32, #tpu.memory_space<hbm>>
        %dma_start3A_35 = tpu.memref_slice %arg2[%multiple_of3A] : memref<323584xi32, #tpu.memory_space<hbm>> -> memref<128xi32, #tpu.memory_space<hbm>>
        tpu.enqueue_dma source(%dma_start3A_35 : memref<128xi32, #tpu.memory_space<hbm>>) target(%arg6 : memref<128xi32, #tpu.memory_space<vmem>>) target_semaphore(%run_scoped3A : memref<!tpu.dma_semaphore, #tpu.memory_space<semaphore_mem>>)
        %dma_wait3A = tpu.memref_slice %arg2[%multiple_of3A] : memref<323584xi32, #tpu.memory_space<hbm>> -> memref<128xi32, #tpu.memory_space<hbm>>
        %dma_wait3A_36 = tpu.memref_slice %arg2[%multiple_of3A] : memref<323584xi32, #tpu.memory_space<hbm>> -> memref<128xi32, #tpu.memory_space<hbm>>
        tpu.wait_dma2 semaphore(%run_scoped3A : memref<!tpu.dma_semaphore, #tpu.memory_space<semaphore_mem>>) src(%dma_wait3A_36 : memref<128xi32, #tpu.memory_space<hbm>>) dst(%arg6 : memref<128xi32, #tpu.memory_space<vmem>>)
        tpu.yield
      }) : () -> ()
      "tpu.region"() ({
        %run_scoped3A = tpu.sem_alloc : memref<!tpu.dma_semaphore, #tpu.memory_space<semaphore_mem>>
        %dma_start3A = arith.constant 0 : i32
        %dma_start3A_35 = arith.constant 0 : i32
        %dma_start3A_36 = tpu.memref_slice %arg9[%dma_start3A, %dma_start3A_35] : memref<10240x128xf32, #tpu.memory_space<vmem_shared>> -> memref<10240x128xf32, #tpu.memory_space<vmem_shared>>
        tpu.enqueue_indirect_dma source(%arg7 : memref<128x128xf32, #tpu.memory_space<vmem>>) target(%dma_start3A_36 : memref<10240x128xf32, #tpu.memory_space<vmem_shared>>) offsets(%arg6 : memref<128xi32, #tpu.memory_space<vmem>>) semaphore(%run_scoped3A : memref<!tpu.dma_semaphore, #tpu.memory_space<semaphore_mem>>) {add = true}
        %dma_wait3A = arith.constant 0 : i32
        %dma_wait3A_37 = arith.constant 0 : i32
        %dma_wait3A_38 = tpu.memref_slice %arg9[%dma_wait3A, %dma_wait3A_37] : memref<10240x128xf32, #tpu.memory_space<vmem_shared>> -> memref<10240x128xf32, #tpu.memory_space<vmem_shared>>
        tpu.wait_indirect_dma semaphore(%run_scoped3A : memref<!tpu.dma_semaphore, #tpu.memory_space<semaphore_mem>>) src(%arg7 : memref<128x128xf32, #tpu.memory_space<vmem>>) dst(%dma_wait3A_38 : memref<10240x128xf32, #tpu.memory_space<vmem_shared>>)
        tpu.yield
      }) : () -> ()
    }
    %scan3A_17 = arith.constant 79 : i32
    %barrier3A_18 = arith.constant 0 : index
    tpu.barrier barrier_id(%barrier3A_18)
    %add3A_19 = arith.constant 0 : i32
    %add3A_20 = arith.addi %mul3A_2, %add3A_19 : i32
    "tpu.region"() ({
      %run_scoped3A = tpu.sem_alloc : memref<!tpu.dma_semaphore, #tpu.memory_space<semaphore_mem>>
      %dma_start3A = arith.constant 0 : i32
      %dma_start3A_29 = tpu.memref_slice %arg9[%add3A_20, %dma_start3A] : memref<10240x128xf32, #tpu.memory_space<vmem_shared>> -> memref<128x128xf32, #tpu.memory_space<vmem_shared>>
      %dma_start3A_30 = arith.constant 0 : i32
      %dma_start3A_31 = tpu.memref_slice %arg9[%add3A_20, %dma_start3A_30] : memref<10240x128xf32, #tpu.memory_space<vmem_shared>> -> memref<128x128xf32, #tpu.memory_space<vmem_shared>>
      tpu.enqueue_dma source(%dma_start3A_31 : memref<128x128xf32, #tpu.memory_space<vmem_shared>>) target(%arg8 : memref<128x128xf32, #tpu.memory_space<vmem>>) target_semaphore(%run_scoped3A : memref<!tpu.dma_semaphore, #tpu.memory_space<semaphore_mem>>)
      %dma_wait3A = arith.constant 0 : i32
      %dma_wait3A_32 = tpu.memref_slice %arg9[%add3A_20, %dma_wait3A] : memref<10240x128xf32, #tpu.memory_space<vmem_shared>> -> memref<128x128xf32, #tpu.memory_space<vmem_shared>>
      %dma_wait3A_33 = arith.constant 0 : i32
      %dma_wait3A_34 = tpu.memref_slice %arg9[%add3A_20, %dma_wait3A_33] : memref<10240x128xf32, #tpu.memory_space<vmem_shared>> -> memref<128x128xf32, #tpu.memory_space<vmem_shared>>
      tpu.wait_dma2 semaphore(%run_scoped3A : memref<!tpu.dma_semaphore, #tpu.memory_space<semaphore_mem>>) src(%dma_wait3A_34 : memref<128x128xf32, #tpu.memory_space<vmem_shared>>) dst(%arg8 : memref<128x128xf32, #tpu.memory_space<vmem>>)
      tpu.yield
    }) : () -> ()
    "tpu.region"() ({
      %run_scoped3A = tpu.sem_alloc : memref<!tpu.dma_semaphore, #tpu.memory_space<semaphore_mem>>
      %dma_start3A = arith.constant 0 : i32
      %dma_start3A_29 = tpu.memref_slice %arg5[%arg0, %add3A_20, %dma_start3A] : memref<2x10240x128xf32, #tpu.memory_space<hbm>> -> memref<1x128x128xf32, #tpu.memory_space<hbm>>
      %dma_start3A_30 = tpu.memref_squeeze %dma_start3A_29 : memref<1x128x128xf32, #tpu.memory_space<hbm>> -> memref<128x128xf32, #tpu.memory_space<hbm>>
      %dma_start3A_31 = arith.constant 0 : i32
      %dma_start3A_32 = tpu.memref_slice %arg5[%arg0, %add3A_20, %dma_start3A_31] : memref<2x10240x128xf32, #tpu.memory_space<hbm>> -> memref<1x128x128xf32, #tpu.memory_space<hbm>>
      %dma_start3A_33 = tpu.memref_squeeze %dma_start3A_32 : memref<1x128x128xf32, #tpu.memory_space<hbm>> -> memref<128x128xf32, #tpu.memory_space<hbm>>
      tpu.enqueue_dma source(%arg8 : memref<128x128xf32, #tpu.memory_space<vmem>>) target(%dma_start3A_33 : memref<128x128xf32, #tpu.memory_space<hbm>>) target_semaphore(%run_scoped3A : memref<!tpu.dma_semaphore, #tpu.memory_space<semaphore_mem>>)
      %dma_wait3A = arith.constant 0 : i32
      %dma_wait3A_34 = tpu.memref_slice %arg5[%arg0, %add3A_20, %dma_wait3A] : memref<2x10240x128xf32, #tpu.memory_space<hbm>> -> memref<1x128x128xf32, #tpu.memory_space<hbm>>
      %dma_wait3A_35 = tpu.memref_squeeze %dma_wait3A_34 : memref<1x128x128xf32, #tpu.memory_space<hbm>> -> memref<128x128xf32, #tpu.memory_space<hbm>>
      %dma_wait3A_36 = arith.constant 0 : i32
      %dma_wait3A_37 = tpu.memref_slice %arg5[%arg0, %add3A_20, %dma_wait3A_36] : memref<2x10240x128xf32, #tpu.memory_space<hbm>> -> memref<1x128x128xf32, #tpu.memory_space<hbm>>
      %dma_wait3A_38 = tpu.memref_squeeze %dma_wait3A_37 : memref<1x128x128xf32, #tpu.memory_space<hbm>> -> memref<128x128xf32, #tpu.memory_space<hbm>>
      tpu.wait_dma2 semaphore(%run_scoped3A : memref<!tpu.dma_semaphore, #tpu.memory_space<semaphore_mem>>) src(%arg8 : memref<128x128xf32, #tpu.memory_space<vmem>>) dst(%dma_wait3A_38 : memref<128x128xf32, #tpu.memory_space<hbm>>)
      tpu.yield
    }) : () -> ()
    %add3A_21 = arith.constant 128 : i32
    %add3A_22 = arith.addi %mul3A_2, %add3A_21 : i32
    "tpu.region"() ({
      %run_scoped3A = tpu.sem_alloc : memref<!tpu.dma_semaphore, #tpu.memory_space<semaphore_mem>>
      %dma_start3A = arith.constant 0 : i32
      %dma_start3A_29 = tpu.memref_slice %arg9[%add3A_22, %dma_start3A] : memref<10240x128xf32, #tpu.memory_space<vmem_shared>> -> memref<128x128xf32, #tpu.memory_space<vmem_shared>>
      %dma_start3A_30 = arith.constant 0 : i32
      %dma_start3A_31 = tpu.memref_slice %arg9[%add3A_22, %dma_start3A_30] : memref<10240x128xf32, #tpu.memory_space<vmem_shared>> -> memref<128x128xf32, #tpu.memory_space<vmem_shared>>
      tpu.enqueue_dma source(%dma_start3A_31 : memref<128x128xf32, #tpu.memory_space<vmem_shared>>) target(%arg8 : memref<128x128xf32, #tpu.memory_space<vmem>>) target_semaphore(%run_scoped3A : memref<!tpu.dma_semaphore, #tpu.memory_space<semaphore_mem>>)
      %dma_wait3A = arith.constant 0 : i32
      %dma_wait3A_32 = tpu.memref_slice %arg9[%add3A_22, %dma_wait3A] : memref<10240x128xf32, #tpu.memory_space<vmem_shared>> -> memref<128x128xf32, #tpu.memory_space<vmem_shared>>
      %dma_wait3A_33 = arith.constant 0 : i32
      %dma_wait3A_34 = tpu.memref_slice %arg9[%add3A_22, %dma_wait3A_33] : memref<10240x128xf32, #tpu.memory_space<vmem_shared>> -> memref<128x128xf32, #tpu.memory_space<vmem_shared>>
      tpu.wait_dma2 semaphore(%run_scoped3A : memref<!tpu.dma_semaphore, #tpu.memory_space<semaphore_mem>>) src(%dma_wait3A_34 : memref<128x128xf32, #tpu.memory_space<vmem_shared>>) dst(%arg8 : memref<128x128xf32, #tpu.memory_space<vmem>>)
      tpu.yield
    }) : () -> ()
    "tpu.region"() ({
      %run_scoped3A = tpu.sem_alloc : memref<!tpu.dma_semaphore, #tpu.memory_space<semaphore_mem>>
      %dma_start3A = arith.constant 0 : i32
      %dma_start3A_29 = tpu.memref_slice %arg5[%arg0, %add3A_22, %dma_start3A] : memref<2x10240x128xf32, #tpu.memory_space<hbm>> -> memref<1x128x128xf32, #tpu.memory_space<hbm>>
      %dma_start3A_30 = tpu.memref_squeeze %dma_start3A_29 : memref<1x128x128xf32, #tpu.memory_space<hbm>> -> memref<128x128xf32, #tpu.memory_space<hbm>>
      %dma_start3A_31 = arith.constant 0 : i32
      %dma_start3A_32 = tpu.memref_slice %arg5[%arg0, %add3A_22, %dma_start3A_31] : memref<2x10240x128xf32, #tpu.memory_space<hbm>> -> memref<1x128x128xf32, #tpu.memory_space<hbm>>
      %dma_start3A_33 = tpu.memref_squeeze %dma_start3A_32 : memref<1x128x128xf32, #tpu.memory_space<hbm>> -> memref<128x128xf32, #tpu.memory_space<hbm>>
      tpu.enqueue_dma source(%arg8 : memref<128x128xf32, #tpu.memory_space<vmem>>) target(%dma_start3A_33 : memref<128x128xf32, #tpu.memory_space<hbm>>) target_semaphore(%run_scoped3A : memref<!tpu.dma_semaphore, #tpu.memory_space<semaphore_mem>>)
      %dma_wait3A = arith.constant 0 : i32
      %dma_wait3A_34 = tpu.memref_slice %arg5[%arg0, %add3A_22, %dma_wait3A] : memref<2x10240x128xf32, #tpu.memory_space<hbm>> -> memref<1x128x128xf32, #tpu.memory_space<hbm>>
      %dma_wait3A_35 = tpu.memref_squeeze %dma_wait3A_34 : memref<1x128x128xf32, #tpu.memory_space<hbm>> -> memref<128x128xf32, #tpu.memory_space<hbm>>
      %dma_wait3A_36 = arith.constant 0 : i32
      %dma_wait3A_37 = tpu.memref_slice %arg5[%arg0, %add3A_22, %dma_wait3A_36] : memref<2x10240x128xf32, #tpu.memory_space<hbm>> -> memref<1x128x128xf32, #tpu.memory_space<hbm>>
      %dma_wait3A_38 = tpu.memref_squeeze %dma_wait3A_37 : memref<1x128x128xf32, #tpu.memory_space<hbm>> -> memref<128x128xf32, #tpu.memory_space<hbm>>
      tpu.wait_dma2 semaphore(%run_scoped3A : memref<!tpu.dma_semaphore, #tpu.memory_space<semaphore_mem>>) src(%arg8 : memref<128x128xf32, #tpu.memory_space<vmem>>) dst(%dma_wait3A_38 : memref<128x128xf32, #tpu.memory_space<hbm>>)
      tpu.yield
    }) : () -> ()
    %add3A_23 = arith.constant 256 : i32
    %add3A_24 = arith.addi %mul3A_2, %add3A_23 : i32
    "tpu.region"() ({
      %run_scoped3A = tpu.sem_alloc : memref<!tpu.dma_semaphore, #tpu.memory_space<semaphore_mem>>
      %dma_start3A = arith.constant 0 : i32
      %dma_start3A_29 = tpu.memref_slice %arg9[%add3A_24, %dma_start3A] : memref<10240x128xf32, #tpu.memory_space<vmem_shared>> -> memref<128x128xf32, #tpu.memory_space<vmem_shared>>
      %dma_start3A_30 = arith.constant 0 : i32
      %dma_start3A_31 = tpu.memref_slice %arg9[%add3A_24, %dma_start3A_30] : memref<10240x128xf32, #tpu.memory_space<vmem_shared>> -> memref<128x128xf32, #tpu.memory_space<vmem_shared>>
      tpu.enqueue_dma source(%dma_start3A_31 : memref<128x128xf32, #tpu.memory_space<vmem_shared>>) target(%arg8 : memref<128x128xf32, #tpu.memory_space<vmem>>) target_semaphore(%run_scoped3A : memref<!tpu.dma_semaphore, #tpu.memory_space<semaphore_mem>>)
      %dma_wait3A = arith.constant 0 : i32
      %dma_wait3A_32 = tpu.memref_slice %arg9[%add3A_24, %dma_wait3A] : memref<10240x128xf32, #tpu.memory_space<vmem_shared>> -> memref<128x128xf32, #tpu.memory_space<vmem_shared>>
      %dma_wait3A_33 = arith.constant 0 : i32
      %dma_wait3A_34 = tpu.memref_slice %arg9[%add3A_24, %dma_wait3A_33] : memref<10240x128xf32, #tpu.memory_space<vmem_shared>> -> memref<128x128xf32, #tpu.memory_space<vmem_shared>>
      tpu.wait_dma2 semaphore(%run_scoped3A : memref<!tpu.dma_semaphore, #tpu.memory_space<semaphore_mem>>) src(%dma_wait3A_34 : memref<128x128xf32, #tpu.memory_space<vmem_shared>>) dst(%arg8 : memref<128x128xf32, #tpu.memory_space<vmem>>)
      tpu.yield
    }) : () -> ()
    "tpu.region"() ({
      %run_scoped3A = tpu.sem_alloc : memref<!tpu.dma_semaphore, #tpu.memory_space<semaphore_mem>>
      %dma_start3A = arith.constant 0 : i32
      %dma_start3A_29 = tpu.memref_slice %arg5[%arg0, %add3A_24, %dma_start3A] : memref<2x10240x128xf32, #tpu.memory_space<hbm>> -> memref<1x128x128xf32, #tpu.memory_space<hbm>>
      %dma_start3A_30 = tpu.memref_squeeze %dma_start3A_29 : memref<1x128x128xf32, #tpu.memory_space<hbm>> -> memref<128x128xf32, #tpu.memory_space<hbm>>
      %dma_start3A_31 = arith.constant 0 : i32
      %dma_start3A_32 = tpu.memref_slice %arg5[%arg0, %add3A_24, %dma_start3A_31] : memref<2x10240x128xf32, #tpu.memory_space<hbm>> -> memref<1x128x128xf32, #tpu.memory_space<hbm>>
      %dma_start3A_33 = tpu.memref_squeeze %dma_start3A_32 : memref<1x128x128xf32, #tpu.memory_space<hbm>> -> memref<128x128xf32, #tpu.memory_space<hbm>>
      tpu.enqueue_dma source(%arg8 : memref<128x128xf32, #tpu.memory_space<vmem>>) target(%dma_start3A_33 : memref<128x128xf32, #tpu.memory_space<hbm>>) target_semaphore(%run_scoped3A : memref<!tpu.dma_semaphore, #tpu.memory_space<semaphore_mem>>)
      %dma_wait3A = arith.constant 0 : i32
      %dma_wait3A_34 = tpu.memref_slice %arg5[%arg0, %add3A_24, %dma_wait3A] : memref<2x10240x128xf32, #tpu.memory_space<hbm>> -> memref<1x128x128xf32, #tpu.memory_space<hbm>>
      %dma_wait3A_35 = tpu.memref_squeeze %dma_wait3A_34 : memref<1x128x128xf32, #tpu.memory_space<hbm>> -> memref<128x128xf32, #tpu.memory_space<hbm>>
      %dma_wait3A_36 = arith.constant 0 : i32
      %dma_wait3A_37 = tpu.memref_slice %arg5[%arg0, %add3A_24, %dma_wait3A_36] : memref<2x10240x128xf32, #tpu.memory_space<hbm>> -> memref<1x128x128xf32, #tpu.memory_space<hbm>>
      %dma_wait3A_38 = tpu.memref_squeeze %dma_wait3A_37 : memref<1x128x128xf32, #tpu.memory_space<hbm>> -> memref<128x128xf32, #tpu.memory_space<hbm>>
      tpu.wait_dma2 semaphore(%run_scoped3A : memref<!tpu.dma_semaphore, #tpu.memory_space<semaphore_mem>>) src(%arg8 : memref<128x128xf32, #tpu.memory_space<vmem>>) dst(%dma_wait3A_38 : memref<128x128xf32, #tpu.memory_space<hbm>>)
      tpu.yield
    }) : () -> ()
    %add3A_25 = arith.constant 384 : i32
    %add3A_26 = arith.addi %mul3A_2, %add3A_25 : i32
    "tpu.region"() ({
      %run_scoped3A = tpu.sem_alloc : memref<!tpu.dma_semaphore, #tpu.memory_space<semaphore_mem>>
      %dma_start3A = arith.constant 0 : i32
      %dma_start3A_29 = tpu.memref_slice %arg9[%add3A_26, %dma_start3A] : memref<10240x128xf32, #tpu.memory_space<vmem_shared>> -> memref<128x128xf32, #tpu.memory_space<vmem_shared>>
      %dma_start3A_30 = arith.constant 0 : i32
      %dma_start3A_31 = tpu.memref_slice %arg9[%add3A_26, %dma_start3A_30] : memref<10240x128xf32, #tpu.memory_space<vmem_shared>> -> memref<128x128xf32, #tpu.memory_space<vmem_shared>>
      tpu.enqueue_dma source(%dma_start3A_31 : memref<128x128xf32, #tpu.memory_space<vmem_shared>>) target(%arg8 : memref<128x128xf32, #tpu.memory_space<vmem>>) target_semaphore(%run_scoped3A : memref<!tpu.dma_semaphore, #tpu.memory_space<semaphore_mem>>)
      %dma_wait3A = arith.constant 0 : i32
      %dma_wait3A_32 = tpu.memref_slice %arg9[%add3A_26, %dma_wait3A] : memref<10240x128xf32, #tpu.memory_space<vmem_shared>> -> memref<128x128xf32, #tpu.memory_space<vmem_shared>>
      %dma_wait3A_33 = arith.constant 0 : i32
      %dma_wait3A_34 = tpu.memref_slice %arg9[%add3A_26, %dma_wait3A_33] : memref<10240x128xf32, #tpu.memory_space<vmem_shared>> -> memref<128x128xf32, #tpu.memory_space<vmem_shared>>
      tpu.wait_dma2 semaphore(%run_scoped3A : memref<!tpu.dma_semaphore, #tpu.memory_space<semaphore_mem>>) src(%dma_wait3A_34 : memref<128x128xf32, #tpu.memory_space<vmem_shared>>) dst(%arg8 : memref<128x128xf32, #tpu.memory_space<vmem>>)
      tpu.yield
    }) : () -> ()
    "tpu.region"() ({
      %run_scoped3A = tpu.sem_alloc : memref<!tpu.dma_semaphore, #tpu.memory_space<semaphore_mem>>
      %dma_start3A = arith.constant 0 : i32
      %dma_start3A_29 = tpu.memref_slice %arg5[%arg0, %add3A_26, %dma_start3A] : memref<2x10240x128xf32, #tpu.memory_space<hbm>> -> memref<1x128x128xf32, #tpu.memory_space<hbm>>
      %dma_start3A_30 = tpu.memref_squeeze %dma_start3A_29 : memref<1x128x128xf32, #tpu.memory_space<hbm>> -> memref<128x128xf32, #tpu.memory_space<hbm>>
      %dma_start3A_31 = arith.constant 0 : i32
      %dma_start3A_32 = tpu.memref_slice %arg5[%arg0, %add3A_26, %dma_start3A_31] : memref<2x10240x128xf32, #tpu.memory_space<hbm>> -> memref<1x128x128xf32, #tpu.memory_space<hbm>>
      %dma_start3A_33 = tpu.memref_squeeze %dma_start3A_32 : memref<1x128x128xf32, #tpu.memory_space<hbm>> -> memref<128x128xf32, #tpu.memory_space<hbm>>
      tpu.enqueue_dma source(%arg8 : memref<128x128xf32, #tpu.memory_space<vmem>>) target(%dma_start3A_33 : memref<128x128xf32, #tpu.memory_space<hbm>>) target_semaphore(%run_scoped3A : memref<!tpu.dma_semaphore, #tpu.memory_space<semaphore_mem>>)
      %dma_wait3A = arith.constant 0 : i32
      %dma_wait3A_34 = tpu.memref_slice %arg5[%arg0, %add3A_26, %dma_wait3A] : memref<2x10240x128xf32, #tpu.memory_space<hbm>> -> memref<1x128x128xf32, #tpu.memory_space<hbm>>
      %dma_wait3A_35 = tpu.memref_squeeze %dma_wait3A_34 : memref<1x128x128xf32, #tpu.memory_space<hbm>> -> memref<128x128xf32, #tpu.memory_space<hbm>>
      %dma_wait3A_36 = arith.constant 0 : i32
      %dma_wait3A_37 = tpu.memref_slice %arg5[%arg0, %add3A_26, %dma_wait3A_36] : memref<2x10240x128xf32, #tpu.memory_space<hbm>> -> memref<1x128x128xf32, #tpu.memory_space<hbm>>
      %dma_wait3A_38 = tpu.memref_squeeze %dma_wait3A_37 : memref<1x128x128xf32, #tpu.memory_space<hbm>> -> memref<128x128xf32, #tpu.memory_space<hbm>>
      tpu.wait_dma2 semaphore(%run_scoped3A : memref<!tpu.dma_semaphore, #tpu.memory_space<semaphore_mem>>) src(%arg8 : memref<128x128xf32, #tpu.memory_space<vmem>>) dst(%dma_wait3A_38 : memref<128x128xf32, #tpu.memory_space<hbm>>)
      tpu.yield
    }) : () -> ()
    %add3A_27 = arith.constant 512 : i32
    %add3A_28 = arith.addi %mul3A_2, %add3A_27 : i32
    "tpu.region"() ({
      %run_scoped3A = tpu.sem_alloc : memref<!tpu.dma_semaphore, #tpu.memory_space<semaphore_mem>>
      %dma_start3A = arith.constant 0 : i32
      %dma_start3A_29 = tpu.memref_slice %arg9[%add3A_28, %dma_start3A] : memref<10240x128xf32, #tpu.memory_space<vmem_shared>> -> memref<128x128xf32, #tpu.memory_space<vmem_shared>>
      %dma_start3A_30 = arith.constant 0 : i32
      %dma_start3A_31 = tpu.memref_slice %arg9[%add3A_28, %dma_start3A_30] : memref<10240x128xf32, #tpu.memory_space<vmem_shared>> -> memref<128x128xf32, #tpu.memory_space<vmem_shared>>
      tpu.enqueue_dma source(%dma_start3A_31 : memref<128x128xf32, #tpu.memory_space<vmem_shared>>) target(%arg8 : memref<128x128xf32, #tpu.memory_space<vmem>>) target_semaphore(%run_scoped3A : memref<!tpu.dma_semaphore, #tpu.memory_space<semaphore_mem>>)
      %dma_wait3A = arith.constant 0 : i32
      %dma_wait3A_32 = tpu.memref_slice %arg9[%add3A_28, %dma_wait3A] : memref<10240x128xf32, #tpu.memory_space<vmem_shared>> -> memref<128x128xf32, #tpu.memory_space<vmem_shared>>
      %dma_wait3A_33 = arith.constant 0 : i32
      %dma_wait3A_34 = tpu.memref_slice %arg9[%add3A_28, %dma_wait3A_33] : memref<10240x128xf32, #tpu.memory_space<vmem_shared>> -> memref<128x128xf32, #tpu.memory_space<vmem_shared>>
      tpu.wait_dma2 semaphore(%run_scoped3A : memref<!tpu.dma_semaphore, #tpu.memory_space<semaphore_mem>>) src(%dma_wait3A_34 : memref<128x128xf32, #tpu.memory_space<vmem_shared>>) dst(%arg8 : memref<128x128xf32, #tpu.memory_space<vmem>>)
      tpu.yield
    }) : () -> ()
    "tpu.region"() ({
      %run_scoped3A = tpu.sem_alloc : memref<!tpu.dma_semaphore, #tpu.memory_space<semaphore_mem>>
      %dma_start3A = arith.constant 0 : i32
      %dma_start3A_29 = tpu.memref_slice %arg5[%arg0, %add3A_28, %dma_start3A] : memref<2x10240x128xf32, #tpu.memory_space<hbm>> -> memref<1x128x128xf32, #tpu.memory_space<hbm>>
      %dma_start3A_30 = tpu.memref_squeeze %dma_start3A_29 : memref<1x128x128xf32, #tpu.memory_space<hbm>> -> memref<128x128xf32, #tpu.memory_space<hbm>>
      %dma_start3A_31 = arith.constant 0 : i32
      %dma_start3A_32 = tpu.memref_slice %arg5[%arg0, %add3A_28, %dma_start3A_31] : memref<2x10240x128xf32, #tpu.memory_space<hbm>> -> memref<1x128x128xf32, #tpu.memory_space<hbm>>
      %dma_start3A_33 = tpu.memref_squeeze %dma_start3A_32 : memref<1x128x128xf32, #tpu.memory_space<hbm>> -> memref<128x128xf32, #tpu.memory_space<hbm>>
      tpu.enqueue_dma source(%arg8 : memref<128x128xf32, #tpu.memory_space<vmem>>) target(%dma_start3A_33 : memref<128x128xf32, #tpu.memory_space<hbm>>) target_semaphore(%run_scoped3A : memref<!tpu.dma_semaphore, #tpu.memory_space<semaphore_mem>>)
      %dma_wait3A = arith.constant 0 : i32
      %dma_wait3A_34 = tpu.memref_slice %arg5[%arg0, %add3A_28, %dma_wait3A] : memref<2x10240x128xf32, #tpu.memory_space<hbm>> -> memref<1x128x128xf32, #tpu.memory_space<hbm>>
      %dma_wait3A_35 = tpu.memref_squeeze %dma_wait3A_34 : memref<1x128x128xf32, #tpu.memory_space<hbm>> -> memref<128x128xf32, #tpu.memory_space<hbm>>
      %dma_wait3A_36 = arith.constant 0 : i32
      %dma_wait3A_37 = tpu.memref_slice %arg5[%arg0, %add3A_28, %dma_wait3A_36] : memref<2x10240x128xf32, #tpu.memory_space<hbm>> -> memref<1x128x128xf32, #tpu.memory_space<hbm>>
      %dma_wait3A_38 = tpu.memref_squeeze %dma_wait3A_37 : memref<1x128x128xf32, #tpu.memory_space<hbm>> -> memref<128x128xf32, #tpu.memory_space<hbm>>
      tpu.wait_dma2 semaphore(%run_scoped3A : memref<!tpu.dma_semaphore, #tpu.memory_space<semaphore_mem>>) src(%arg8 : memref<128x128xf32, #tpu.memory_space<vmem>>) dst(%dma_wait3A_38 : memref<128x128xf32, #tpu.memory_space<hbm>>)
      tpu.yield
    }) : () -> ()
    return
  }
}

#map = affine_map<(d0, d1) -> (0, 0)>
#map1 = affine_map<(d0, d1) -> (0)>
#map2 = affine_map<(d0, d1) -> (0, 0, 0)>
module attributes {stable_mosaic.version = 14 : i64} {
  func.func @_seg_sum(%arg0: i32, %arg1: i32, %arg2: memref<10000x128xf32, #tpu.memory_space<hbm>>, %arg3: memref<323584xi32, #tpu.memory_space<hbm>>, %arg4: memref<323584xi32, #tpu.memory_space<hbm>>, %arg5: memref<128x128xf32, #tpu.memory_space<hbm>>, %arg6: memref<2x10240x128xf32, #tpu.memory_space<hbm>>, %arg7: memref<128xi32, #tpu.memory_space<vmem>>, %arg8: memref<128xi32, #tpu.memory_space<vmem>>, %arg9: memref<128x128xf32, #tpu.memory_space<vmem>>, %arg10: memref<!tpu.dma_semaphore, #tpu.memory_space<semaphore_mem>>, %arg11: memref<10240x128xf32, #tpu.memory_space<vmem_shared>>) attributes {dimension_semantics = [#tpu.dimension_semantics<core_parallel>, #tpu.dimension_semantics<subcore_parallel>], iteration_bounds = array<i64: 2, 16>, scalar_prefetch = 0 : i64, scratch_operands = 5 : i64, tpu.core_type = #tpu.core_type<sc_vector_subcore>, window_params = [{transform_indices = #map}, {transform_indices = #map1}, {transform_indices = #map1}, {transform_indices = #map}, {transform_indices = #map2}]} {
    %mul3A = arith.constant 2 : i32
    %mul3A_0 = arith.muli %arg1, %mul3A : i32
    %add3A = arith.addi %mul3A_0, %arg0 : i32
    %mul3A_1 = arith.constant 640 : i32
    %mul3A_2 = arith.muli %arg1, %mul3A_1 : i32
    "tpu.region"() ({
      %run_scoped3A = tpu.sem_alloc : memref<!tpu.dma_semaphore, #tpu.memory_space<semaphore_mem>>
      tpu.enqueue_dma source(%arg5 : memref<128x128xf32, #tpu.memory_space<hbm>>) target(%arg9 : memref<128x128xf32, #tpu.memory_space<vmem>>) target_semaphore(%run_scoped3A : memref<!tpu.dma_semaphore, #tpu.memory_space<semaphore_mem>>)
      tpu.wait_dma2 semaphore(%run_scoped3A : memref<!tpu.dma_semaphore, #tpu.memory_space<semaphore_mem>>) src(%arg5 : memref<128x128xf32, #tpu.memory_space<hbm>>) dst(%arg9 : memref<128x128xf32, #tpu.memory_space<vmem>>)
      tpu.yield
    }) : () -> ()
    %add3A_3 = arith.constant 0 : i32
    %add3A_4 = arith.addi %mul3A_2, %add3A_3 : i32
    "tpu.region"() ({
      %run_scoped3A = tpu.sem_alloc : memref<!tpu.dma_semaphore, #tpu.memory_space<semaphore_mem>>
      %dma_start3A = arith.constant 0 : i32
      %dma_start3A_29 = tpu.memref_slice %arg11[%add3A_4, %dma_start3A] : memref<10240x128xf32, #tpu.memory_space<vmem_shared>> -> memref<128x128xf32, #tpu.memory_space<vmem_shared>>
      %dma_start3A_30 = arith.constant 0 : i32
      %dma_start3A_31 = tpu.memref_slice %arg11[%add3A_4, %dma_start3A_30] : memref<10240x128xf32, #tpu.memory_space<vmem_shared>> -> memref<128x128xf32, #tpu.memory_space<vmem_shared>>
      tpu.enqueue_dma source(%arg9 : memref<128x128xf32, #tpu.memory_space<vmem>>) target(%dma_start3A_31 : memref<128x128xf32, #tpu.memory_space<vmem_shared>>) target_semaphore(%run_scoped3A : memref<!tpu.dma_semaphore, #tpu.memory_space<semaphore_mem>>)
      %dma_wait3A = arith.constant 0 : i32
      %dma_wait3A_32 = tpu.memref_slice %arg11[%add3A_4, %dma_wait3A] : memref<10240x128xf32, #tpu.memory_space<vmem_shared>> -> memref<128x128xf32, #tpu.memory_space<vmem_shared>>
      %dma_wait3A_33 = arith.constant 0 : i32
      %dma_wait3A_34 = tpu.memref_slice %arg11[%add3A_4, %dma_wait3A_33] : memref<10240x128xf32, #tpu.memory_space<vmem_shared>> -> memref<128x128xf32, #tpu.memory_space<vmem_shared>>
      tpu.wait_dma2 semaphore(%run_scoped3A : memref<!tpu.dma_semaphore, #tpu.memory_space<semaphore_mem>>) src(%arg9 : memref<128x128xf32, #tpu.memory_space<vmem>>) dst(%dma_wait3A_34 : memref<128x128xf32, #tpu.memory_space<vmem_shared>>)
      tpu.yield
    }) : () -> ()
    %add3A_5 = arith.constant 128 : i32
    %add3A_6 = arith.addi %mul3A_2, %add3A_5 : i32
    "tpu.region"() ({
      %run_scoped3A = tpu.sem_alloc : memref<!tpu.dma_semaphore, #tpu.memory_space<semaphore_mem>>
      %dma_start3A = arith.constant 0 : i32
      %dma_start3A_29 = tpu.memref_slice %arg11[%add3A_6, %dma_start3A] : memref<10240x128xf32, #tpu.memory_space<vmem_shared>> -> memref<128x128xf32, #tpu.memory_space<vmem_shared>>
      %dma_start3A_30 = arith.constant 0 : i32
      %dma_start3A_31 = tpu.memref_slice %arg11[%add3A_6, %dma_start3A_30] : memref<10240x128xf32, #tpu.memory_space<vmem_shared>> -> memref<128x128xf32, #tpu.memory_space<vmem_shared>>
      tpu.enqueue_dma source(%arg9 : memref<128x128xf32, #tpu.memory_space<vmem>>) target(%dma_start3A_31 : memref<128x128xf32, #tpu.memory_space<vmem_shared>>) target_semaphore(%run_scoped3A : memref<!tpu.dma_semaphore, #tpu.memory_space<semaphore_mem>>)
      %dma_wait3A = arith.constant 0 : i32
      %dma_wait3A_32 = tpu.memref_slice %arg11[%add3A_6, %dma_wait3A] : memref<10240x128xf32, #tpu.memory_space<vmem_shared>> -> memref<128x128xf32, #tpu.memory_space<vmem_shared>>
      %dma_wait3A_33 = arith.constant 0 : i32
      %dma_wait3A_34 = tpu.memref_slice %arg11[%add3A_6, %dma_wait3A_33] : memref<10240x128xf32, #tpu.memory_space<vmem_shared>> -> memref<128x128xf32, #tpu.memory_space<vmem_shared>>
      tpu.wait_dma2 semaphore(%run_scoped3A : memref<!tpu.dma_semaphore, #tpu.memory_space<semaphore_mem>>) src(%arg9 : memref<128x128xf32, #tpu.memory_space<vmem>>) dst(%dma_wait3A_34 : memref<128x128xf32, #tpu.memory_space<vmem_shared>>)
      tpu.yield
    }) : () -> ()
    %add3A_7 = arith.constant 256 : i32
    %add3A_8 = arith.addi %mul3A_2, %add3A_7 : i32
    "tpu.region"() ({
      %run_scoped3A = tpu.sem_alloc : memref<!tpu.dma_semaphore, #tpu.memory_space<semaphore_mem>>
      %dma_start3A = arith.constant 0 : i32
      %dma_start3A_29 = tpu.memref_slice %arg11[%add3A_8, %dma_start3A] : memref<10240x128xf32, #tpu.memory_space<vmem_shared>> -> memref<128x128xf32, #tpu.memory_space<vmem_shared>>
      %dma_start3A_30 = arith.constant 0 : i32
      %dma_start3A_31 = tpu.memref_slice %arg11[%add3A_8, %dma_start3A_30] : memref<10240x128xf32, #tpu.memory_space<vmem_shared>> -> memref<128x128xf32, #tpu.memory_space<vmem_shared>>
      tpu.enqueue_dma source(%arg9 : memref<128x128xf32, #tpu.memory_space<vmem>>) target(%dma_start3A_31 : memref<128x128xf32, #tpu.memory_space<vmem_shared>>) target_semaphore(%run_scoped3A : memref<!tpu.dma_semaphore, #tpu.memory_space<semaphore_mem>>)
      %dma_wait3A = arith.constant 0 : i32
      %dma_wait3A_32 = tpu.memref_slice %arg11[%add3A_8, %dma_wait3A] : memref<10240x128xf32, #tpu.memory_space<vmem_shared>> -> memref<128x128xf32, #tpu.memory_space<vmem_shared>>
      %dma_wait3A_33 = arith.constant 0 : i32
      %dma_wait3A_34 = tpu.memref_slice %arg11[%add3A_8, %dma_wait3A_33] : memref<10240x128xf32, #tpu.memory_space<vmem_shared>> -> memref<128x128xf32, #tpu.memory_space<vmem_shared>>
      tpu.wait_dma2 semaphore(%run_scoped3A : memref<!tpu.dma_semaphore, #tpu.memory_space<semaphore_mem>>) src(%arg9 : memref<128x128xf32, #tpu.memory_space<vmem>>) dst(%dma_wait3A_34 : memref<128x128xf32, #tpu.memory_space<vmem_shared>>)
      tpu.yield
    }) : () -> ()
    %add3A_9 = arith.constant 384 : i32
    %add3A_10 = arith.addi %mul3A_2, %add3A_9 : i32
    "tpu.region"() ({
      %run_scoped3A = tpu.sem_alloc : memref<!tpu.dma_semaphore, #tpu.memory_space<semaphore_mem>>
      %dma_start3A = arith.constant 0 : i32
      %dma_start3A_29 = tpu.memref_slice %arg11[%add3A_10, %dma_start3A] : memref<10240x128xf32, #tpu.memory_space<vmem_shared>> -> memref<128x128xf32, #tpu.memory_space<vmem_shared>>
      %dma_start3A_30 = arith.constant 0 : i32
      %dma_start3A_31 = tpu.memref_slice %arg11[%add3A_10, %dma_start3A_30] : memref<10240x128xf32, #tpu.memory_space<vmem_shared>> -> memref<128x128xf32, #tpu.memory_space<vmem_shared>>
      tpu.enqueue_dma source(%arg9 : memref<128x128xf32, #tpu.memory_space<vmem>>) target(%dma_start3A_31 : memref<128x128xf32, #tpu.memory_space<vmem_shared>>) target_semaphore(%run_scoped3A : memref<!tpu.dma_semaphore, #tpu.memory_space<semaphore_mem>>)
      %dma_wait3A = arith.constant 0 : i32
      %dma_wait3A_32 = tpu.memref_slice %arg11[%add3A_10, %dma_wait3A] : memref<10240x128xf32, #tpu.memory_space<vmem_shared>> -> memref<128x128xf32, #tpu.memory_space<vmem_shared>>
      %dma_wait3A_33 = arith.constant 0 : i32
      %dma_wait3A_34 = tpu.memref_slice %arg11[%add3A_10, %dma_wait3A_33] : memref<10240x128xf32, #tpu.memory_space<vmem_shared>> -> memref<128x128xf32, #tpu.memory_space<vmem_shared>>
      tpu.wait_dma2 semaphore(%run_scoped3A : memref<!tpu.dma_semaphore, #tpu.memory_space<semaphore_mem>>) src(%arg9 : memref<128x128xf32, #tpu.memory_space<vmem>>) dst(%dma_wait3A_34 : memref<128x128xf32, #tpu.memory_space<vmem_shared>>)
      tpu.yield
    }) : () -> ()
    %add3A_11 = arith.constant 512 : i32
    %add3A_12 = arith.addi %mul3A_2, %add3A_11 : i32
    "tpu.region"() ({
      %run_scoped3A = tpu.sem_alloc : memref<!tpu.dma_semaphore, #tpu.memory_space<semaphore_mem>>
      %dma_start3A = arith.constant 0 : i32
      %dma_start3A_29 = tpu.memref_slice %arg11[%add3A_12, %dma_start3A] : memref<10240x128xf32, #tpu.memory_space<vmem_shared>> -> memref<128x128xf32, #tpu.memory_space<vmem_shared>>
      %dma_start3A_30 = arith.constant 0 : i32
      %dma_start3A_31 = tpu.memref_slice %arg11[%add3A_12, %dma_start3A_30] : memref<10240x128xf32, #tpu.memory_space<vmem_shared>> -> memref<128x128xf32, #tpu.memory_space<vmem_shared>>
      tpu.enqueue_dma source(%arg9 : memref<128x128xf32, #tpu.memory_space<vmem>>) target(%dma_start3A_31 : memref<128x128xf32, #tpu.memory_space<vmem_shared>>) target_semaphore(%run_scoped3A : memref<!tpu.dma_semaphore, #tpu.memory_space<semaphore_mem>>)
      %dma_wait3A = arith.constant 0 : i32
      %dma_wait3A_32 = tpu.memref_slice %arg11[%add3A_12, %dma_wait3A] : memref<10240x128xf32, #tpu.memory_space<vmem_shared>> -> memref<128x128xf32, #tpu.memory_space<vmem_shared>>
      %dma_wait3A_33 = arith.constant 0 : i32
      %dma_wait3A_34 = tpu.memref_slice %arg11[%add3A_12, %dma_wait3A_33] : memref<10240x128xf32, #tpu.memory_space<vmem_shared>> -> memref<128x128xf32, #tpu.memory_space<vmem_shared>>
      tpu.wait_dma2 semaphore(%run_scoped3A : memref<!tpu.dma_semaphore, #tpu.memory_space<semaphore_mem>>) src(%arg9 : memref<128x128xf32, #tpu.memory_space<vmem>>) dst(%dma_wait3A_34 : memref<128x128xf32, #tpu.memory_space<vmem_shared>>)
      tpu.yield
    }) : () -> ()
    %barrier3A = arith.constant 0 : index
    tpu.barrier barrier_id(%barrier3A)
    %scan3A = arith.constant 0 : i32
    %scan3A_13 = arith.constant 0 : i32
    %scan3A_14 = arith.constant 79 : i32
    %scan3A_15 = arith.addi %scan3A_13, %scan3A_14 : i32
    %scan3A_16 = arith.constant 1 : i32
    scf.for %scan3A_29 = %scan3A_13 to %scan3A_15 step %scan3A_16  : i32 {
      %mul3A_30 = arith.constant 10112 : i32
      %mul3A_31 = arith.muli %add3A, %mul3A_30 : i32
      %mul3A_32 = arith.constant 128 : i32
      %mul3A_33 = arith.muli %scan3A_29, %mul3A_32 : i32
      %add3A_34 = arith.addi %mul3A_31, %mul3A_33 : i32
      %multiple_of3A = tpu.assume_multiple %add3A_34, 128 : i32
      "tpu.region"() ({
        %run_scoped3A = tpu.sem_alloc : memref<!tpu.dma_semaphore, #tpu.memory_space<semaphore_mem>>
        %dma_start3A_39 = tpu.memref_slice %arg3[%multiple_of3A] : memref<323584xi32, #tpu.memory_space<hbm>> -> memref<128xi32, #tpu.memory_space<hbm>>
        %dma_start3A_40 = tpu.memref_slice %arg3[%multiple_of3A] : memref<323584xi32, #tpu.memory_space<hbm>> -> memref<128xi32, #tpu.memory_space<hbm>>
        tpu.enqueue_dma source(%dma_start3A_40 : memref<128xi32, #tpu.memory_space<hbm>>) target(%arg7 : memref<128xi32, #tpu.memory_space<vmem>>) target_semaphore(%run_scoped3A : memref<!tpu.dma_semaphore, #tpu.memory_space<semaphore_mem>>)
        %dma_wait3A_41 = tpu.memref_slice %arg3[%multiple_of3A] : memref<323584xi32, #tpu.memory_space<hbm>> -> memref<128xi32, #tpu.memory_space<hbm>>
        %dma_wait3A_42 = tpu.memref_slice %arg3[%multiple_of3A] : memref<323584xi32, #tpu.memory_space<hbm>> -> memref<128xi32, #tpu.memory_space<hbm>>
        tpu.wait_dma2 semaphore(%run_scoped3A : memref<!tpu.dma_semaphore, #tpu.memory_space<semaphore_mem>>) src(%dma_wait3A_42 : memref<128xi32, #tpu.memory_space<hbm>>) dst(%arg7 : memref<128xi32, #tpu.memory_space<vmem>>)
        tpu.yield
      }) : () -> ()
      "tpu.region"() ({
        %run_scoped3A = tpu.sem_alloc : memref<!tpu.dma_semaphore, #tpu.memory_space<semaphore_mem>>
        %dma_start3A_39 = tpu.memref_slice %arg4[%multiple_of3A] : memref<323584xi32, #tpu.memory_space<hbm>> -> memref<128xi32, #tpu.memory_space<hbm>>
        %dma_start3A_40 = tpu.memref_slice %arg4[%multiple_of3A] : memref<323584xi32, #tpu.memory_space<hbm>> -> memref<128xi32, #tpu.memory_space<hbm>>
        tpu.enqueue_dma source(%dma_start3A_40 : memref<128xi32, #tpu.memory_space<hbm>>) target(%arg8 : memref<128xi32, #tpu.memory_space<vmem>>) target_semaphore(%run_scoped3A : memref<!tpu.dma_semaphore, #tpu.memory_space<semaphore_mem>>)
        %dma_wait3A_41 = tpu.memref_slice %arg4[%multiple_of3A] : memref<323584xi32, #tpu.memory_space<hbm>> -> memref<128xi32, #tpu.memory_space<hbm>>
        %dma_wait3A_42 = tpu.memref_slice %arg4[%multiple_of3A] : memref<323584xi32, #tpu.memory_space<hbm>> -> memref<128xi32, #tpu.memory_space<hbm>>
        tpu.wait_dma2 semaphore(%run_scoped3A : memref<!tpu.dma_semaphore, #tpu.memory_space<semaphore_mem>>) src(%dma_wait3A_42 : memref<128xi32, #tpu.memory_space<hbm>>) dst(%arg8 : memref<128xi32, #tpu.memory_space<vmem>>)
        tpu.yield
      }) : () -> ()
      %dma_start3A = arith.constant 0 : i32
      %dma_start3A_35 = arith.constant 0 : i32
      %dma_start3A_36 = tpu.memref_slice %arg2[%dma_start3A, %dma_start3A_35] : memref<10000x128xf32, #tpu.memory_space<hbm>> -> memref<10000x128xf32, #tpu.memory_space<hbm>>
      tpu.enqueue_indirect_dma source(%dma_start3A_36 : memref<10000x128xf32, #tpu.memory_space<hbm>>) target(%arg9 : memref<128x128xf32, #tpu.memory_space<vmem>>) offsets(%arg7 : memref<128xi32, #tpu.memory_space<vmem>>) semaphore(%arg10 : memref<!tpu.dma_semaphore, #tpu.memory_space<semaphore_mem>>)
      %dma_wait3A = arith.constant 0 : i32
      %dma_wait3A_37 = arith.constant 0 : i32
      %dma_wait3A_38 = tpu.memref_slice %arg2[%dma_wait3A, %dma_wait3A_37] : memref<10000x128xf32, #tpu.memory_space<hbm>> -> memref<10000x128xf32, #tpu.memory_space<hbm>>
      tpu.wait_indirect_dma semaphore(%arg10 : memref<!tpu.dma_semaphore, #tpu.memory_space<semaphore_mem>>) src(%dma_wait3A_38 : memref<10000x128xf32, #tpu.memory_space<hbm>>) dst(%arg9 : memref<128x128xf32, #tpu.memory_space<vmem>>)
      "tpu.region"() ({
        %run_scoped3A = tpu.sem_alloc : memref<!tpu.dma_semaphore, #tpu.memory_space<semaphore_mem>>
        %dma_start3A_39 = arith.constant 0 : i32
        %dma_start3A_40 = arith.constant 0 : i32
        %dma_start3A_41 = tpu.memref_slice %arg11[%dma_start3A_39, %dma_start3A_40] : memref<10240x128xf32, #tpu.memory_space<vmem_shared>> -> memref<10240x128xf32, #tpu.memory_space<vmem_shared>>
        tpu.enqueue_indirect_dma source(%arg9 : memref<128x128xf32, #tpu.memory_space<vmem>>) target(%dma_start3A_41 : memref<10240x128xf32, #tpu.memory_space<vmem_shared>>) offsets(%arg8 : memref<128xi32, #tpu.memory_space<vmem>>) semaphore(%run_scoped3A : memref<!tpu.dma_semaphore, #tpu.memory_space<semaphore_mem>>) {add = true}
        %dma_wait3A_42 = arith.constant 0 : i32
        %dma_wait3A_43 = arith.constant 0 : i32
        %dma_wait3A_44 = tpu.memref_slice %arg11[%dma_wait3A_42, %dma_wait3A_43] : memref<10240x128xf32, #tpu.memory_space<vmem_shared>> -> memref<10240x128xf32, #tpu.memory_space<vmem_shared>>
        tpu.wait_indirect_dma semaphore(%run_scoped3A : memref<!tpu.dma_semaphore, #tpu.memory_space<semaphore_mem>>) src(%arg9 : memref<128x128xf32, #tpu.memory_space<vmem>>) dst(%dma_wait3A_44 : memref<10240x128xf32, #tpu.memory_space<vmem_shared>>)
        tpu.yield
      }) : () -> ()
    }
    %scan3A_17 = arith.constant 79 : i32
    %barrier3A_18 = arith.constant 0 : index
    tpu.barrier barrier_id(%barrier3A_18)
    %add3A_19 = arith.constant 0 : i32
    %add3A_20 = arith.addi %mul3A_2, %add3A_19 : i32
    "tpu.region"() ({
      %run_scoped3A = tpu.sem_alloc : memref<!tpu.dma_semaphore, #tpu.memory_space<semaphore_mem>>
      %dma_start3A = arith.constant 0 : i32
      %dma_start3A_29 = tpu.memref_slice %arg11[%add3A_20, %dma_start3A] : memref<10240x128xf32, #tpu.memory_space<vmem_shared>> -> memref<128x128xf32, #tpu.memory_space<vmem_shared>>
      %dma_start3A_30 = arith.constant 0 : i32
      %dma_start3A_31 = tpu.memref_slice %arg11[%add3A_20, %dma_start3A_30] : memref<10240x128xf32, #tpu.memory_space<vmem_shared>> -> memref<128x128xf32, #tpu.memory_space<vmem_shared>>
      tpu.enqueue_dma source(%dma_start3A_31 : memref<128x128xf32, #tpu.memory_space<vmem_shared>>) target(%arg9 : memref<128x128xf32, #tpu.memory_space<vmem>>) target_semaphore(%run_scoped3A : memref<!tpu.dma_semaphore, #tpu.memory_space<semaphore_mem>>)
      %dma_wait3A = arith.constant 0 : i32
      %dma_wait3A_32 = tpu.memref_slice %arg11[%add3A_20, %dma_wait3A] : memref<10240x128xf32, #tpu.memory_space<vmem_shared>> -> memref<128x128xf32, #tpu.memory_space<vmem_shared>>
      %dma_wait3A_33 = arith.constant 0 : i32
      %dma_wait3A_34 = tpu.memref_slice %arg11[%add3A_20, %dma_wait3A_33] : memref<10240x128xf32, #tpu.memory_space<vmem_shared>> -> memref<128x128xf32, #tpu.memory_space<vmem_shared>>
      tpu.wait_dma2 semaphore(%run_scoped3A : memref<!tpu.dma_semaphore, #tpu.memory_space<semaphore_mem>>) src(%dma_wait3A_34 : memref<128x128xf32, #tpu.memory_space<vmem_shared>>) dst(%arg9 : memref<128x128xf32, #tpu.memory_space<vmem>>)
      tpu.yield
    }) : () -> ()
    "tpu.region"() ({
      %run_scoped3A = tpu.sem_alloc : memref<!tpu.dma_semaphore, #tpu.memory_space<semaphore_mem>>
      %dma_start3A = arith.constant 0 : i32
      %dma_start3A_29 = tpu.memref_slice %arg6[%arg0, %add3A_20, %dma_start3A] : memref<2x10240x128xf32, #tpu.memory_space<hbm>> -> memref<1x128x128xf32, #tpu.memory_space<hbm>>
      %dma_start3A_30 = tpu.memref_squeeze %dma_start3A_29 : memref<1x128x128xf32, #tpu.memory_space<hbm>> -> memref<128x128xf32, #tpu.memory_space<hbm>>
      %dma_start3A_31 = arith.constant 0 : i32
      %dma_start3A_32 = tpu.memref_slice %arg6[%arg0, %add3A_20, %dma_start3A_31] : memref<2x10240x128xf32, #tpu.memory_space<hbm>> -> memref<1x128x128xf32, #tpu.memory_space<hbm>>
      %dma_start3A_33 = tpu.memref_squeeze %dma_start3A_32 : memref<1x128x128xf32, #tpu.memory_space<hbm>> -> memref<128x128xf32, #tpu.memory_space<hbm>>
      tpu.enqueue_dma source(%arg9 : memref<128x128xf32, #tpu.memory_space<vmem>>) target(%dma_start3A_33 : memref<128x128xf32, #tpu.memory_space<hbm>>) target_semaphore(%run_scoped3A : memref<!tpu.dma_semaphore, #tpu.memory_space<semaphore_mem>>)
      %dma_wait3A = arith.constant 0 : i32
      %dma_wait3A_34 = tpu.memref_slice %arg6[%arg0, %add3A_20, %dma_wait3A] : memref<2x10240x128xf32, #tpu.memory_space<hbm>> -> memref<1x128x128xf32, #tpu.memory_space<hbm>>
      %dma_wait3A_35 = tpu.memref_squeeze %dma_wait3A_34 : memref<1x128x128xf32, #tpu.memory_space<hbm>> -> memref<128x128xf32, #tpu.memory_space<hbm>>
      %dma_wait3A_36 = arith.constant 0 : i32
      %dma_wait3A_37 = tpu.memref_slice %arg6[%arg0, %add3A_20, %dma_wait3A_36] : memref<2x10240x128xf32, #tpu.memory_space<hbm>> -> memref<1x128x128xf32, #tpu.memory_space<hbm>>
      %dma_wait3A_38 = tpu.memref_squeeze %dma_wait3A_37 : memref<1x128x128xf32, #tpu.memory_space<hbm>> -> memref<128x128xf32, #tpu.memory_space<hbm>>
      tpu.wait_dma2 semaphore(%run_scoped3A : memref<!tpu.dma_semaphore, #tpu.memory_space<semaphore_mem>>) src(%arg9 : memref<128x128xf32, #tpu.memory_space<vmem>>) dst(%dma_wait3A_38 : memref<128x128xf32, #tpu.memory_space<hbm>>)
      tpu.yield
    }) : () -> ()
    %add3A_21 = arith.constant 128 : i32
    %add3A_22 = arith.addi %mul3A_2, %add3A_21 : i32
    "tpu.region"() ({
      %run_scoped3A = tpu.sem_alloc : memref<!tpu.dma_semaphore, #tpu.memory_space<semaphore_mem>>
      %dma_start3A = arith.constant 0 : i32
      %dma_start3A_29 = tpu.memref_slice %arg11[%add3A_22, %dma_start3A] : memref<10240x128xf32, #tpu.memory_space<vmem_shared>> -> memref<128x128xf32, #tpu.memory_space<vmem_shared>>
      %dma_start3A_30 = arith.constant 0 : i32
      %dma_start3A_31 = tpu.memref_slice %arg11[%add3A_22, %dma_start3A_30] : memref<10240x128xf32, #tpu.memory_space<vmem_shared>> -> memref<128x128xf32, #tpu.memory_space<vmem_shared>>
      tpu.enqueue_dma source(%dma_start3A_31 : memref<128x128xf32, #tpu.memory_space<vmem_shared>>) target(%arg9 : memref<128x128xf32, #tpu.memory_space<vmem>>) target_semaphore(%run_scoped3A : memref<!tpu.dma_semaphore, #tpu.memory_space<semaphore_mem>>)
      %dma_wait3A = arith.constant 0 : i32
      %dma_wait3A_32 = tpu.memref_slice %arg11[%add3A_22, %dma_wait3A] : memref<10240x128xf32, #tpu.memory_space<vmem_shared>> -> memref<128x128xf32, #tpu.memory_space<vmem_shared>>
      %dma_wait3A_33 = arith.constant 0 : i32
      %dma_wait3A_34 = tpu.memref_slice %arg11[%add3A_22, %dma_wait3A_33] : memref<10240x128xf32, #tpu.memory_space<vmem_shared>> -> memref<128x128xf32, #tpu.memory_space<vmem_shared>>
      tpu.wait_dma2 semaphore(%run_scoped3A : memref<!tpu.dma_semaphore, #tpu.memory_space<semaphore_mem>>) src(%dma_wait3A_34 : memref<128x128xf32, #tpu.memory_space<vmem_shared>>) dst(%arg9 : memref<128x128xf32, #tpu.memory_space<vmem>>)
      tpu.yield
    }) : () -> ()
    "tpu.region"() ({
      %run_scoped3A = tpu.sem_alloc : memref<!tpu.dma_semaphore, #tpu.memory_space<semaphore_mem>>
      %dma_start3A = arith.constant 0 : i32
      %dma_start3A_29 = tpu.memref_slice %arg6[%arg0, %add3A_22, %dma_start3A] : memref<2x10240x128xf32, #tpu.memory_space<hbm>> -> memref<1x128x128xf32, #tpu.memory_space<hbm>>
      %dma_start3A_30 = tpu.memref_squeeze %dma_start3A_29 : memref<1x128x128xf32, #tpu.memory_space<hbm>> -> memref<128x128xf32, #tpu.memory_space<hbm>>
      %dma_start3A_31 = arith.constant 0 : i32
      %dma_start3A_32 = tpu.memref_slice %arg6[%arg0, %add3A_22, %dma_start3A_31] : memref<2x10240x128xf32, #tpu.memory_space<hbm>> -> memref<1x128x128xf32, #tpu.memory_space<hbm>>
      %dma_start3A_33 = tpu.memref_squeeze %dma_start3A_32 : memref<1x128x128xf32, #tpu.memory_space<hbm>> -> memref<128x128xf32, #tpu.memory_space<hbm>>
      tpu.enqueue_dma source(%arg9 : memref<128x128xf32, #tpu.memory_space<vmem>>) target(%dma_start3A_33 : memref<128x128xf32, #tpu.memory_space<hbm>>) target_semaphore(%run_scoped3A : memref<!tpu.dma_semaphore, #tpu.memory_space<semaphore_mem>>)
      %dma_wait3A = arith.constant 0 : i32
      %dma_wait3A_34 = tpu.memref_slice %arg6[%arg0, %add3A_22, %dma_wait3A] : memref<2x10240x128xf32, #tpu.memory_space<hbm>> -> memref<1x128x128xf32, #tpu.memory_space<hbm>>
      %dma_wait3A_35 = tpu.memref_squeeze %dma_wait3A_34 : memref<1x128x128xf32, #tpu.memory_space<hbm>> -> memref<128x128xf32, #tpu.memory_space<hbm>>
      %dma_wait3A_36 = arith.constant 0 : i32
      %dma_wait3A_37 = tpu.memref_slice %arg6[%arg0, %add3A_22, %dma_wait3A_36] : memref<2x10240x128xf32, #tpu.memory_space<hbm>> -> memref<1x128x128xf32, #tpu.memory_space<hbm>>
      %dma_wait3A_38 = tpu.memref_squeeze %dma_wait3A_37 : memref<1x128x128xf32, #tpu.memory_space<hbm>> -> memref<128x128xf32, #tpu.memory_space<hbm>>
      tpu.wait_dma2 semaphore(%run_scoped3A : memref<!tpu.dma_semaphore, #tpu.memory_space<semaphore_mem>>) src(%arg9 : memref<128x128xf32, #tpu.memory_space<vmem>>) dst(%dma_wait3A_38 : memref<128x128xf32, #tpu.memory_space<hbm>>)
      tpu.yield
    }) : () -> ()
    %add3A_23 = arith.constant 256 : i32
    %add3A_24 = arith.addi %mul3A_2, %add3A_23 : i32
    "tpu.region"() ({
      %run_scoped3A = tpu.sem_alloc : memref<!tpu.dma_semaphore, #tpu.memory_space<semaphore_mem>>
      %dma_start3A = arith.constant 0 : i32
      %dma_start3A_29 = tpu.memref_slice %arg11[%add3A_24, %dma_start3A] : memref<10240x128xf32, #tpu.memory_space<vmem_shared>> -> memref<128x128xf32, #tpu.memory_space<vmem_shared>>
      %dma_start3A_30 = arith.constant 0 : i32
      %dma_start3A_31 = tpu.memref_slice %arg11[%add3A_24, %dma_start3A_30] : memref<10240x128xf32, #tpu.memory_space<vmem_shared>> -> memref<128x128xf32, #tpu.memory_space<vmem_shared>>
      tpu.enqueue_dma source(%dma_start3A_31 : memref<128x128xf32, #tpu.memory_space<vmem_shared>>) target(%arg9 : memref<128x128xf32, #tpu.memory_space<vmem>>) target_semaphore(%run_scoped3A : memref<!tpu.dma_semaphore, #tpu.memory_space<semaphore_mem>>)
      %dma_wait3A = arith.constant 0 : i32
      %dma_wait3A_32 = tpu.memref_slice %arg11[%add3A_24, %dma_wait3A] : memref<10240x128xf32, #tpu.memory_space<vmem_shared>> -> memref<128x128xf32, #tpu.memory_space<vmem_shared>>
      %dma_wait3A_33 = arith.constant 0 : i32
      %dma_wait3A_34 = tpu.memref_slice %arg11[%add3A_24, %dma_wait3A_33] : memref<10240x128xf32, #tpu.memory_space<vmem_shared>> -> memref<128x128xf32, #tpu.memory_space<vmem_shared>>
      tpu.wait_dma2 semaphore(%run_scoped3A : memref<!tpu.dma_semaphore, #tpu.memory_space<semaphore_mem>>) src(%dma_wait3A_34 : memref<128x128xf32, #tpu.memory_space<vmem_shared>>) dst(%arg9 : memref<128x128xf32, #tpu.memory_space<vmem>>)
      tpu.yield
    }) : () -> ()
    "tpu.region"() ({
      %run_scoped3A = tpu.sem_alloc : memref<!tpu.dma_semaphore, #tpu.memory_space<semaphore_mem>>
      %dma_start3A = arith.constant 0 : i32
      %dma_start3A_29 = tpu.memref_slice %arg6[%arg0, %add3A_24, %dma_start3A] : memref<2x10240x128xf32, #tpu.memory_space<hbm>> -> memref<1x128x128xf32, #tpu.memory_space<hbm>>
      %dma_start3A_30 = tpu.memref_squeeze %dma_start3A_29 : memref<1x128x128xf32, #tpu.memory_space<hbm>> -> memref<128x128xf32, #tpu.memory_space<hbm>>
      %dma_start3A_31 = arith.constant 0 : i32
      %dma_start3A_32 = tpu.memref_slice %arg6[%arg0, %add3A_24, %dma_start3A_31] : memref<2x10240x128xf32, #tpu.memory_space<hbm>> -> memref<1x128x128xf32, #tpu.memory_space<hbm>>
      %dma_start3A_33 = tpu.memref_squeeze %dma_start3A_32 : memref<1x128x128xf32, #tpu.memory_space<hbm>> -> memref<128x128xf32, #tpu.memory_space<hbm>>
      tpu.enqueue_dma source(%arg9 : memref<128x128xf32, #tpu.memory_space<vmem>>) target(%dma_start3A_33 : memref<128x128xf32, #tpu.memory_space<hbm>>) target_semaphore(%run_scoped3A : memref<!tpu.dma_semaphore, #tpu.memory_space<semaphore_mem>>)
      %dma_wait3A = arith.constant 0 : i32
      %dma_wait3A_34 = tpu.memref_slice %arg6[%arg0, %add3A_24, %dma_wait3A] : memref<2x10240x128xf32, #tpu.memory_space<hbm>> -> memref<1x128x128xf32, #tpu.memory_space<hbm>>
      %dma_wait3A_35 = tpu.memref_squeeze %dma_wait3A_34 : memref<1x128x128xf32, #tpu.memory_space<hbm>> -> memref<128x128xf32, #tpu.memory_space<hbm>>
      %dma_wait3A_36 = arith.constant 0 : i32
      %dma_wait3A_37 = tpu.memref_slice %arg6[%arg0, %add3A_24, %dma_wait3A_36] : memref<2x10240x128xf32, #tpu.memory_space<hbm>> -> memref<1x128x128xf32, #tpu.memory_space<hbm>>
      %dma_wait3A_38 = tpu.memref_squeeze %dma_wait3A_37 : memref<1x128x128xf32, #tpu.memory_space<hbm>> -> memref<128x128xf32, #tpu.memory_space<hbm>>
      tpu.wait_dma2 semaphore(%run_scoped3A : memref<!tpu.dma_semaphore, #tpu.memory_space<semaphore_mem>>) src(%arg9 : memref<128x128xf32, #tpu.memory_space<vmem>>) dst(%dma_wait3A_38 : memref<128x128xf32, #tpu.memory_space<hbm>>)
      tpu.yield
    }) : () -> ()
    %add3A_25 = arith.constant 384 : i32
    %add3A_26 = arith.addi %mul3A_2, %add3A_25 : i32
    "tpu.region"() ({
      %run_scoped3A = tpu.sem_alloc : memref<!tpu.dma_semaphore, #tpu.memory_space<semaphore_mem>>
      %dma_start3A = arith.constant 0 : i32
      %dma_start3A_29 = tpu.memref_slice %arg11[%add3A_26, %dma_start3A] : memref<10240x128xf32, #tpu.memory_space<vmem_shared>> -> memref<128x128xf32, #tpu.memory_space<vmem_shared>>
      %dma_start3A_30 = arith.constant 0 : i32
      %dma_start3A_31 = tpu.memref_slice %arg11[%add3A_26, %dma_start3A_30] : memref<10240x128xf32, #tpu.memory_space<vmem_shared>> -> memref<128x128xf32, #tpu.memory_space<vmem_shared>>
      tpu.enqueue_dma source(%dma_start3A_31 : memref<128x128xf32, #tpu.memory_space<vmem_shared>>) target(%arg9 : memref<128x128xf32, #tpu.memory_space<vmem>>) target_semaphore(%run_scoped3A : memref<!tpu.dma_semaphore, #tpu.memory_space<semaphore_mem>>)
      %dma_wait3A = arith.constant 0 : i32
      %dma_wait3A_32 = tpu.memref_slice %arg11[%add3A_26, %dma_wait3A] : memref<10240x128xf32, #tpu.memory_space<vmem_shared>> -> memref<128x128xf32, #tpu.memory_space<vmem_shared>>
      %dma_wait3A_33 = arith.constant 0 : i32
      %dma_wait3A_34 = tpu.memref_slice %arg11[%add3A_26, %dma_wait3A_33] : memref<10240x128xf32, #tpu.memory_space<vmem_shared>> -> memref<128x128xf32, #tpu.memory_space<vmem_shared>>
      tpu.wait_dma2 semaphore(%run_scoped3A : memref<!tpu.dma_semaphore, #tpu.memory_space<semaphore_mem>>) src(%dma_wait3A_34 : memref<128x128xf32, #tpu.memory_space<vmem_shared>>) dst(%arg9 : memref<128x128xf32, #tpu.memory_space<vmem>>)
      tpu.yield
    }) : () -> ()
    "tpu.region"() ({
      %run_scoped3A = tpu.sem_alloc : memref<!tpu.dma_semaphore, #tpu.memory_space<semaphore_mem>>
      %dma_start3A = arith.constant 0 : i32
      %dma_start3A_29 = tpu.memref_slice %arg6[%arg0, %add3A_26, %dma_start3A] : memref<2x10240x128xf32, #tpu.memory_space<hbm>> -> memref<1x128x128xf32, #tpu.memory_space<hbm>>
      %dma_start3A_30 = tpu.memref_squeeze %dma_start3A_29 : memref<1x128x128xf32, #tpu.memory_space<hbm>> -> memref<128x128xf32, #tpu.memory_space<hbm>>
      %dma_start3A_31 = arith.constant 0 : i32
      %dma_start3A_32 = tpu.memref_slice %arg6[%arg0, %add3A_26, %dma_start3A_31] : memref<2x10240x128xf32, #tpu.memory_space<hbm>> -> memref<1x128x128xf32, #tpu.memory_space<hbm>>
      %dma_start3A_33 = tpu.memref_squeeze %dma_start3A_32 : memref<1x128x128xf32, #tpu.memory_space<hbm>> -> memref<128x128xf32, #tpu.memory_space<hbm>>
      tpu.enqueue_dma source(%arg9 : memref<128x128xf32, #tpu.memory_space<vmem>>) target(%dma_start3A_33 : memref<128x128xf32, #tpu.memory_space<hbm>>) target_semaphore(%run_scoped3A : memref<!tpu.dma_semaphore, #tpu.memory_space<semaphore_mem>>)
      %dma_wait3A = arith.constant 0 : i32
      %dma_wait3A_34 = tpu.memref_slice %arg6[%arg0, %add3A_26, %dma_wait3A] : memref<2x10240x128xf32, #tpu.memory_space<hbm>> -> memref<1x128x128xf32, #tpu.memory_space<hbm>>
      %dma_wait3A_35 = tpu.memref_squeeze %dma_wait3A_34 : memref<1x128x128xf32, #tpu.memory_space<hbm>> -> memref<128x128xf32, #tpu.memory_space<hbm>>
      %dma_wait3A_36 = arith.constant 0 : i32
      %dma_wait3A_37 = tpu.memref_slice %arg6[%arg0, %add3A_26, %dma_wait3A_36] : memref<2x10240x128xf32, #tpu.memory_space<hbm>> -> memref<1x128x128xf32, #tpu.memory_space<hbm>>
      %dma_wait3A_38 = tpu.memref_squeeze %dma_wait3A_37 : memref<1x128x128xf32, #tpu.memory_space<hbm>> -> memref<128x128xf32, #tpu.memory_space<hbm>>
      tpu.wait_dma2 semaphore(%run_scoped3A : memref<!tpu.dma_semaphore, #tpu.memory_space<semaphore_mem>>) src(%arg9 : memref<128x128xf32, #tpu.memory_space<vmem>>) dst(%dma_wait3A_38 : memref<128x128xf32, #tpu.memory_space<hbm>>)
      tpu.yield
    }) : () -> ()
    %add3A_27 = arith.constant 512 : i32
    %add3A_28 = arith.addi %mul3A_2, %add3A_27 : i32
    "tpu.region"() ({
      %run_scoped3A = tpu.sem_alloc : memref<!tpu.dma_semaphore, #tpu.memory_space<semaphore_mem>>
      %dma_start3A = arith.constant 0 : i32
      %dma_start3A_29 = tpu.memref_slice %arg11[%add3A_28, %dma_start3A] : memref<10240x128xf32, #tpu.memory_space<vmem_shared>> -> memref<128x128xf32, #tpu.memory_space<vmem_shared>>
      %dma_start3A_30 = arith.constant 0 : i32
      %dma_start3A_31 = tpu.memref_slice %arg11[%add3A_28, %dma_start3A_30] : memref<10240x128xf32, #tpu.memory_space<vmem_shared>> -> memref<128x128xf32, #tpu.memory_space<vmem_shared>>
      tpu.enqueue_dma source(%dma_start3A_31 : memref<128x128xf32, #tpu.memory_space<vmem_shared>>) target(%arg9 : memref<128x128xf32, #tpu.memory_space<vmem>>) target_semaphore(%run_scoped3A : memref<!tpu.dma_semaphore, #tpu.memory_space<semaphore_mem>>)
      %dma_wait3A = arith.constant 0 : i32
      %dma_wait3A_32 = tpu.memref_slice %arg11[%add3A_28, %dma_wait3A] : memref<10240x128xf32, #tpu.memory_space<vmem_shared>> -> memref<128x128xf32, #tpu.memory_space<vmem_shared>>
      %dma_wait3A_33 = arith.constant 0 : i32
      %dma_wait3A_34 = tpu.memref_slice %arg11[%add3A_28, %dma_wait3A_33] : memref<10240x128xf32, #tpu.memory_space<vmem_shared>> -> memref<128x128xf32, #tpu.memory_space<vmem_shared>>
      tpu.wait_dma2 semaphore(%run_scoped3A : memref<!tpu.dma_semaphore, #tpu.memory_space<semaphore_mem>>) src(%dma_wait3A_34 : memref<128x128xf32, #tpu.memory_space<vmem_shared>>) dst(%arg9 : memref<128x128xf32, #tpu.memory_space<vmem>>)
      tpu.yield
    }) : () -> ()
    "tpu.region"() ({
      %run_scoped3A = tpu.sem_alloc : memref<!tpu.dma_semaphore, #tpu.memory_space<semaphore_mem>>
      %dma_start3A = arith.constant 0 : i32
      %dma_start3A_29 = tpu.memref_slice %arg6[%arg0, %add3A_28, %dma_start3A] : memref<2x10240x128xf32, #tpu.memory_space<hbm>> -> memref<1x128x128xf32, #tpu.memory_space<hbm>>
      %dma_start3A_30 = tpu.memref_squeeze %dma_start3A_29 : memref<1x128x128xf32, #tpu.memory_space<hbm>> -> memref<128x128xf32, #tpu.memory_space<hbm>>
      %dma_start3A_31 = arith.constant 0 : i32
      %dma_start3A_32 = tpu.memref_slice %arg6[%arg0, %add3A_28, %dma_start3A_31] : memref<2x10240x128xf32, #tpu.memory_space<hbm>> -> memref<1x128x128xf32, #tpu.memory_space<hbm>>
      %dma_start3A_33 = tpu.memref_squeeze %dma_start3A_32 : memref<1x128x128xf32, #tpu.memory_space<hbm>> -> memref<128x128xf32, #tpu.memory_space<hbm>>
      tpu.enqueue_dma source(%arg9 : memref<128x128xf32, #tpu.memory_space<vmem>>) target(%dma_start3A_33 : memref<128x128xf32, #tpu.memory_space<hbm>>) target_semaphore(%run_scoped3A : memref<!tpu.dma_semaphore, #tpu.memory_space<semaphore_mem>>)
      %dma_wait3A = arith.constant 0 : i32
      %dma_wait3A_34 = tpu.memref_slice %arg6[%arg0, %add3A_28, %dma_wait3A] : memref<2x10240x128xf32, #tpu.memory_space<hbm>> -> memref<1x128x128xf32, #tpu.memory_space<hbm>>
      %dma_wait3A_35 = tpu.memref_squeeze %dma_wait3A_34 : memref<1x128x128xf32, #tpu.memory_space<hbm>> -> memref<128x128xf32, #tpu.memory_space<hbm>>
      %dma_wait3A_36 = arith.constant 0 : i32
      %dma_wait3A_37 = tpu.memref_slice %arg6[%arg0, %add3A_28, %dma_wait3A_36] : memref<2x10240x128xf32, #tpu.memory_space<hbm>> -> memref<1x128x128xf32, #tpu.memory_space<hbm>>
      %dma_wait3A_38 = tpu.memref_squeeze %dma_wait3A_37 : memref<1x128x128xf32, #tpu.memory_space<hbm>> -> memref<128x128xf32, #tpu.memory_space<hbm>>
      tpu.wait_dma2 semaphore(%run_scoped3A : memref<!tpu.dma_semaphore, #tpu.memory_space<semaphore_mem>>) src(%arg9 : memref<128x128xf32, #tpu.memory_space<vmem>>) dst(%dma_wait3A_38 : memref<128x128xf32, #tpu.memory_space<hbm>>)
      tpu.yield
    }) : () -> ()
    return
  }
}

module attributes {stable_mosaic.version = 14 : i64} {
  func.func @_stage_h_body(%arg0: i32, %arg1: memref<2000x128xf32, #tpu.memory_space<vmem>>, %arg2: memref<2000x128xf32, #tpu.memory_space<vmem>>, %arg3: memref<2000x128xf32, #tpu.memory_space<vmem>>, %arg4: memref<2000x128xf32, #tpu.memory_space<vmem>>, %arg5: memref<2000x128xf32, #tpu.memory_space<vmem>>, %arg6: memref<128x128xf32, #tpu.memory_space<vmem>>, %arg7: memref<128x128xf32, #tpu.memory_space<vmem>>, %arg8: memref<1x128xf32, #tpu.memory_space<vmem>>, %arg9: memref<2000x128xf32, #tpu.memory_space<vmem>>) attributes {dimension_semantics = [#tpu.dimension_semantics<arbitrary>], iteration_bounds = array<i64: 5>, scalar_prefetch = 0 : i64, scratch_operands = 0 : i64, tpu.core_type = #tpu.core_type<tc>, window_params = [{transform_indices = @transform_0, window_bounds = array<i64: 2000, 128>}, {transform_indices = @transform_1, window_bounds = array<i64: 2000, 128>}, {transform_indices = @transform_2, window_bounds = array<i64: 2000, 128>}, {transform_indices = @transform_3, window_bounds = array<i64: 2000, 128>}, {transform_indices = @transform_4, window_bounds = array<i64: 2000, 128>}, {pipeline_mode = #tpu.pipeline_mode<synchronous>, transform_indices = @transform_5, window_bounds = array<i64: 128, 128>}, {pipeline_mode = #tpu.pipeline_mode<synchronous>, transform_indices = @transform_6, window_bounds = array<i64: 128, 128>}, {pipeline_mode = #tpu.pipeline_mode<synchronous>, transform_indices = @transform_7, window_bounds = array<i64: 1, 128>}, {transform_indices = @transform_8, window_bounds = array<i64: 2000, 128>}]} {
    %get3A = arith.constant 0 : index
    %get3A_0 = arith.constant 0 : index
    %get3A_1 = vector.load %arg3[%get3A, %get3A_0] : memref<2000x128xf32, #tpu.memory_space<vmem>>, vector<2000x1xf32>
    %get3A_2 = arith.constant 0 : index
    %get3A_3 = arith.constant 0 : index
    %get3A_4 = vector.load %arg4[%get3A_2, %get3A_3] : memref<2000x128xf32, #tpu.memory_space<vmem>>, vector<2000x1xf32>
    %add3A = arith.addf %get3A_1, %get3A_4 : vector<2000x1xf32>
    %max3A = arith.constant 1.000000e+00 : f32
    %max3A_5 = vector.broadcast %max3A : f32 to vector<2000x1xf32>
    %max3A_6 = arith.maximumf %add3A, %max3A_5 : vector<2000x1xf32>
    %get3A_7 = arith.constant 0 : index
    %get3A_8 = arith.constant 0 : index
    %get3A_9 = vector.load %arg1[%get3A_7, %get3A_8] : memref<2000x128xf32, #tpu.memory_space<vmem>>, vector<2000x128xf32>
    %get3A_10 = arith.constant 0 : index
    %get3A_11 = arith.constant 0 : index
    %get3A_12 = vector.load %arg2[%get3A_10, %get3A_11] : memref<2000x128xf32, #tpu.memory_space<vmem>>, vector<2000x128xf32>
    %add3A_13 = arith.addf %get3A_9, %get3A_12 : vector<2000x128xf32>
    %div3A = vector.broadcast %max3A_6 : vector<2000x1xf32> to vector<2000x128xf32>
    %div3A_14 = arith.divf %add3A_13, %div3A : vector<2000x128xf32>
    %get3A_15 = arith.constant 0 : index
    %get3A_16 = arith.constant 0 : index
    %get3A_17 = vector.load %arg6[%get3A_15, %get3A_16] : memref<128x128xf32, #tpu.memory_space<vmem>>, vector<128x128xf32>
    %dot_general3A = arith.constant dense<0.000000e+00> : vector<2000x128xf32>
    %dot_general3A_18 = tpu.matmul %div3A_14, %get3A_17, %dot_general3A {dimension_numbers = #tpu.dot_dimension_numbers<[1], [0], [0], [1], [0, 0, 1, 1], [], []>, transpose_lhs_hint = false} : vector<2000x128xf32>, vector<128x128xf32>, vector<2000x128xf32> -> vector<2000x128xf32>
    %get3A_19 = arith.constant 0 : index
    %get3A_20 = arith.constant 0 : index
    %get3A_21 = vector.load %arg8[%get3A_19, %get3A_20] : memref<1x128xf32, #tpu.memory_space<vmem>>, vector<1x128xf32>
    %add3A_22 = vector.broadcast %get3A_21 : vector<1x128xf32> to vector<2000x128xf32>
    %add3A_23 = arith.addf %dot_general3A_18, %add3A_22 : vector<2000x128xf32>
    %get3A_24 = arith.constant 0 : index
    %get3A_25 = arith.constant 0 : index
    %get3A_26 = vector.load %arg5[%get3A_24, %get3A_25] : memref<2000x128xf32, #tpu.memory_space<vmem>>, vector<2000x128xf32>
    %get3A_27 = arith.constant 0 : index
    %get3A_28 = arith.constant 0 : index
    %get3A_29 = vector.load %arg7[%get3A_27, %get3A_28] : memref<128x128xf32, #tpu.memory_space<vmem>>, vector<128x128xf32>
    %dot_general3A_30 = arith.constant dense<0.000000e+00> : vector<2000x128xf32>
    %dot_general3A_31 = tpu.matmul %get3A_26, %get3A_29, %dot_general3A_30 {dimension_numbers = #tpu.dot_dimension_numbers<[1], [0], [0], [1], [0, 0, 1, 1], [], []>, transpose_lhs_hint = false} : vector<2000x128xf32>, vector<128x128xf32>, vector<2000x128xf32> -> vector<2000x128xf32>
    %add3A_32 = arith.addf %add3A_23, %dot_general3A_31 : vector<2000x128xf32>
    %max3A_33 = arith.constant 0.000000e+00 : f32
    %max3A_34 = vector.broadcast %max3A_33 : f32 to vector<2000x128xf32>
    %max3A_35 = arith.maximumf %add3A_32, %max3A_34 : vector<2000x128xf32>
    %swap3A = arith.constant 0 : index
    %swap3A_36 = arith.constant 0 : index
    %swap3A_37 = vector.load %arg9[%swap3A, %swap3A_36] : memref<2000x128xf32, #tpu.memory_space<vmem>>, vector<2000x128xf32>
    tpu.vector_store %arg9[%swap3A, %swap3A_36], %max3A_35 {strides = array<i32>} : memref<2000x128xf32, #tpu.memory_space<vmem>>, vector<2000x128xf32>,
    return
  }
  func.func @transform_0(%arg0: i32) -> (i32, i32) {
    %c0_i32 = arith.constant 0 : i32
    %c0_i32_0 = arith.constant 0 : i32
    return %arg0, %c0_i32 : i32, i32
  }
  func.func @transform_1(%arg0: i32) -> (i32, i32) {
    %c0_i32 = arith.constant 0 : i32
    %c0_i32_0 = arith.constant 0 : i32
    return %arg0, %c0_i32 : i32, i32
  }
  func.func @transform_2(%arg0: i32) -> (i32, i32) {
    %c0_i32 = arith.constant 0 : i32
    %c0_i32_0 = arith.constant 0 : i32
    return %arg0, %c0_i32 : i32, i32
  }
  func.func @transform_3(%arg0: i32) -> (i32, i32) {
    %c0_i32 = arith.constant 0 : i32
    %c0_i32_0 = arith.constant 0 : i32
    return %arg0, %c0_i32 : i32, i32
  }
  func.func @transform_4(%arg0: i32) -> (i32, i32) {
    %c0_i32 = arith.constant 0 : i32
    %c0_i32_0 = arith.constant 0 : i32
    return %arg0, %c0_i32 : i32, i32
  }
  func.func @transform_5(%arg0: i32) -> (i32, i32) {
    %c0_i32 = arith.constant 0 : i32
    %c0_i32_0 = arith.constant 0 : i32
    %c0_i32_1 = arith.constant 0 : i32
    return %c0_i32, %c0_i32_0 : i32, i32
  }
  func.func @transform_6(%arg0: i32) -> (i32, i32) {
    %c0_i32 = arith.constant 0 : i32
    %c0_i32_0 = arith.constant 0 : i32
    %c0_i32_1 = arith.constant 0 : i32
    return %c0_i32, %c0_i32_0 : i32, i32
  }
  func.func @transform_7(%arg0: i32) -> (i32, i32) {
    %c0_i32 = arith.constant 0 : i32
    %c0_i32_0 = arith.constant 0 : i32
    %c0_i32_1 = arith.constant 0 : i32
    return %c0_i32, %c0_i32_0 : i32, i32
  }
  func.func @transform_8(%arg0: i32) -> (i32, i32) {
    %c0_i32 = arith.constant 0 : i32
    %c0_i32_0 = arith.constant 0 : i32
    return %arg0, %c0_i32 : i32, i32
  }
}

module attributes {stable_mosaic.version = 14 : i64} {
  func.func @_stage_out_body(%arg0: i32, %arg1: memref<2000x128xf32, #tpu.memory_space<vmem>>, %arg2: memref<2000x128xf32, #tpu.memory_space<vmem>>, %arg3: memref<2000x128xf32, #tpu.memory_space<vmem>>, %arg4: memref<2000x128xf32, #tpu.memory_space<vmem>>, %arg5: memref<2000x128xf32, #tpu.memory_space<vmem>>, %arg6: memref<128x128xf32, #tpu.memory_space<vmem>>, %arg7: memref<128x128xf32, #tpu.memory_space<vmem>>, %arg8: memref<1x128xf32, #tpu.memory_space<vmem>>, %arg9: memref<128x64xf32, #tpu.memory_space<vmem>>, %arg10: memref<1x64xf32, #tpu.memory_space<vmem>>, %arg11: memref<2000x64xf32, #tpu.memory_space<vmem>>, %arg12: memref<2000x128xf32, #tpu.memory_space<vmem>>, %arg13: memref<2000x64xf32, #tpu.memory_space<vmem>>, %arg14: memref<2000x1xi32, #tpu.memory_space<vmem>>) attributes {dimension_semantics = [#tpu.dimension_semantics<arbitrary>], iteration_bounds = array<i64: 5>, scalar_prefetch = 0 : i64, scratch_operands = 0 : i64, tpu.core_type = #tpu.core_type<tc>, window_params = [{transform_indices = @transform_0, window_bounds = array<i64: 2000, 128>}, {transform_indices = @transform_1, window_bounds = array<i64: 2000, 128>}, {transform_indices = @transform_2, window_bounds = array<i64: 2000, 128>}, {transform_indices = @transform_3, window_bounds = array<i64: 2000, 128>}, {transform_indices = @transform_4, window_bounds = array<i64: 2000, 128>}, {pipeline_mode = #tpu.pipeline_mode<synchronous>, transform_indices = @transform_5, window_bounds = array<i64: 128, 128>}, {pipeline_mode = #tpu.pipeline_mode<synchronous>, transform_indices = @transform_6, window_bounds = array<i64: 128, 128>}, {pipeline_mode = #tpu.pipeline_mode<synchronous>, transform_indices = @transform_7, window_bounds = array<i64: 1, 128>}, {pipeline_mode = #tpu.pipeline_mode<synchronous>, transform_indices = @transform_8, window_bounds = array<i64: 128, 64>}, {pipeline_mode = #tpu.pipeline_mode<synchronous>, transform_indices = @transform_9, window_bounds = array<i64: 1, 64>}, {transform_indices = @transform_10, window_bounds = array<i64: 2000, 64>}, {transform_indices = @transform_11, window_bounds = array<i64: 2000, 128>}, {transform_indices = @transform_12, window_bounds = array<i64: 2000, 64>}, {transform_indices = @transform_13, window_bounds = array<i64: 2000, 1>}]} {
    %get3A = arith.constant 0 : index
    %get3A_0 = arith.constant 0 : index
    %get3A_1 = vector.load %arg3[%get3A, %get3A_0] : memref<2000x128xf32, #tpu.memory_space<vmem>>, vector<2000x1xf32>
    %get3A_2 = arith.constant 0 : index
    %get3A_3 = arith.constant 0 : index
    %get3A_4 = vector.load %arg4[%get3A_2, %get3A_3] : memref<2000x128xf32, #tpu.memory_space<vmem>>, vector<2000x1xf32>
    %add3A = arith.addf %get3A_1, %get3A_4 : vector<2000x1xf32>
    %max3A = arith.constant 1.000000e+00 : f32
    %max3A_5 = vector.broadcast %max3A : f32 to vector<2000x1xf32>
    %max3A_6 = arith.maximumf %add3A, %max3A_5 : vector<2000x1xf32>
    %get3A_7 = arith.constant 0 : index
    %get3A_8 = arith.constant 0 : index
    %get3A_9 = vector.load %arg1[%get3A_7, %get3A_8] : memref<2000x128xf32, #tpu.memory_space<vmem>>, vector<2000x128xf32>
    %get3A_10 = arith.constant 0 : index
    %get3A_11 = arith.constant 0 : index
    %get3A_12 = vector.load %arg2[%get3A_10, %get3A_11] : memref<2000x128xf32, #tpu.memory_space<vmem>>, vector<2000x128xf32>
    %add3A_13 = arith.addf %get3A_9, %get3A_12 : vector<2000x128xf32>
    %div3A = vector.broadcast %max3A_6 : vector<2000x1xf32> to vector<2000x128xf32>
    %div3A_14 = arith.divf %add3A_13, %div3A : vector<2000x128xf32>
    %get3A_15 = arith.constant 0 : index
    %get3A_16 = arith.constant 0 : index
    %get3A_17 = vector.load %arg6[%get3A_15, %get3A_16] : memref<128x128xf32, #tpu.memory_space<vmem>>, vector<128x128xf32>
    %dot_general3A = arith.constant dense<0.000000e+00> : vector<2000x128xf32>
    %dot_general3A_18 = tpu.matmul %div3A_14, %get3A_17, %dot_general3A {dimension_numbers = #tpu.dot_dimension_numbers<[1], [0], [0], [1], [0, 0, 1, 1], [], []>, transpose_lhs_hint = false} : vector<2000x128xf32>, vector<128x128xf32>, vector<2000x128xf32> -> vector<2000x128xf32>
    %get3A_19 = arith.constant 0 : index
    %get3A_20 = arith.constant 0 : index
    %get3A_21 = vector.load %arg8[%get3A_19, %get3A_20] : memref<1x128xf32, #tpu.memory_space<vmem>>, vector<1x128xf32>
    %add3A_22 = vector.broadcast %get3A_21 : vector<1x128xf32> to vector<2000x128xf32>
    %add3A_23 = arith.addf %dot_general3A_18, %add3A_22 : vector<2000x128xf32>
    %get3A_24 = arith.constant 0 : index
    %get3A_25 = arith.constant 0 : index
    %get3A_26 = vector.load %arg5[%get3A_24, %get3A_25] : memref<2000x128xf32, #tpu.memory_space<vmem>>, vector<2000x128xf32>
    %get3A_27 = arith.constant 0 : index
    %get3A_28 = arith.constant 0 : index
    %get3A_29 = vector.load %arg7[%get3A_27, %get3A_28] : memref<128x128xf32, #tpu.memory_space<vmem>>, vector<128x128xf32>
    %dot_general3A_30 = arith.constant dense<0.000000e+00> : vector<2000x128xf32>
    %dot_general3A_31 = tpu.matmul %get3A_26, %get3A_29, %dot_general3A_30 {dimension_numbers = #tpu.dot_dimension_numbers<[1], [0], [0], [1], [0, 0, 1, 1], [], []>, transpose_lhs_hint = false} : vector<2000x128xf32>, vector<128x128xf32>, vector<2000x128xf32> -> vector<2000x128xf32>
    %add3A_32 = arith.addf %add3A_23, %dot_general3A_31 : vector<2000x128xf32>
    %swap3A = arith.constant 0 : index
    %swap3A_33 = arith.constant 0 : index
    %swap3A_34 = vector.load %arg12[%swap3A, %swap3A_33] : memref<2000x128xf32, #tpu.memory_space<vmem>>, vector<2000x128xf32>
    tpu.vector_store %arg12[%swap3A, %swap3A_33], %add3A_32 {strides = array<i32>} : memref<2000x128xf32, #tpu.memory_space<vmem>>, vector<2000x128xf32>,
    %get3A_35 = arith.constant 0 : index
    %get3A_36 = arith.constant 0 : index
    %get3A_37 = vector.load %arg9[%get3A_35, %get3A_36] : memref<128x64xf32, #tpu.memory_space<vmem>>, vector<128x64xf32>
    %dot_general3A_38 = arith.constant dense<0.000000e+00> : vector<2000x64xf32>
    %dot_general3A_39 = tpu.matmul %add3A_32, %get3A_37, %dot_general3A_38 {dimension_numbers = #tpu.dot_dimension_numbers<[1], [0], [0], [1], [0, 0, 1, 1], [], []>, transpose_lhs_hint = false} : vector<2000x128xf32>, vector<128x64xf32>, vector<2000x64xf32> -> vector<2000x64xf32>
    %get3A_40 = arith.constant 0 : index
    %get3A_41 = arith.constant 0 : index
    %get3A_42 = vector.load %arg10[%get3A_40, %get3A_41] : memref<1x64xf32, #tpu.memory_space<vmem>>, vector<1x64xf32>
    %add3A_43 = vector.broadcast %get3A_42 : vector<1x64xf32> to vector<2000x64xf32>
    %add3A_44 = arith.addf %dot_general3A_39, %add3A_43 : vector<2000x64xf32>
    %swap3A_45 = arith.constant 0 : index
    %swap3A_46 = arith.constant 0 : index
    %swap3A_47 = vector.load %arg11[%swap3A_45, %swap3A_46] : memref<2000x64xf32, #tpu.memory_space<vmem>>, vector<2000x64xf32>
    tpu.vector_store %arg11[%swap3A_45, %swap3A_46], %add3A_44 {strides = array<i32>} : memref<2000x64xf32, #tpu.memory_space<vmem>>, vector<2000x64xf32>,
    %reduce_max3A = arith.constant dense<0xFF800000> : vector<2000xf32>
    %reduce_max3A_48 = vector.multi_reduction <maximumf>, %add3A_44, %reduce_max3A [1] : vector<2000x64xf32> to vector<2000xf32>
    %broadcast_in_dim3A = vector.shape_cast %reduce_max3A_48 : vector<2000xf32> to vector<2000x1xf32>
    %sub3A = vector.broadcast %broadcast_in_dim3A : vector<2000x1xf32> to vector<2000x64xf32>
    %sub3A_49 = arith.subf %add3A_44, %sub3A : vector<2000x64xf32>
    %exp3A = math.exp %sub3A_49 : vector<2000x64xf32>
    %reduce_sum3A = arith.constant dense<0.000000e+00> : vector<2000xf32>
    %reduce_sum3A_50 = vector.multi_reduction <add>, %exp3A, %reduce_sum3A [1] : vector<2000x64xf32> to vector<2000xf32>
    %broadcast_in_dim3A_51 = vector.shape_cast %reduce_sum3A_50 : vector<2000xf32> to vector<2000x1xf32>
    %div3A_52 = vector.broadcast %broadcast_in_dim3A_51 : vector<2000x1xf32> to vector<2000x64xf32>
    %div3A_53 = arith.divf %exp3A, %div3A_52 : vector<2000x64xf32>
    %swap3A_54 = arith.constant 0 : index
    %swap3A_55 = arith.constant 0 : index
    %swap3A_56 = vector.load %arg13[%swap3A_54, %swap3A_55] : memref<2000x64xf32, #tpu.memory_space<vmem>>, vector<2000x64xf32>
    tpu.vector_store %arg13[%swap3A_54, %swap3A_55], %div3A_53 {strides = array<i32>} : memref<2000x64xf32, #tpu.memory_space<vmem>>, vector<2000x64xf32>,
    %reduce_max3A_57 = arith.constant dense<0xFF800000> : vector<2000xf32>
    %reduce_max3A_58 = vector.multi_reduction <maximumf>, %div3A_53, %reduce_max3A_57 [1] : vector<2000x64xf32> to vector<2000xf32>
    %broadcast_in_dim3A_59 = vector.shape_cast %reduce_max3A_58 : vector<2000xf32> to vector<2000x1xf32>
    %iota3A = tpu.iota {dimensions = array<i32: 1>} : vector<2000x64xi32>
    %eq3A = vector.broadcast %broadcast_in_dim3A_59 : vector<2000x1xf32> to vector<2000x64xf32>
    %eq3A_60 = arith.cmpf oeq, %div3A_53, %eq3A : vector<2000x64xf32>
    %jit3A = arith.constant 64 : i32
    %broadcast_in_dim3A_61 = vector.broadcast %jit3A : i32 to vector<2000x64xi32>
    %select_n3A = arith.select %eq3A_60, %iota3A, %broadcast_in_dim3A_61 : vector<2000x64xi1>, vector<2000x64xi32>
    %reduce_min3A = arith.constant dense<2147483647> : vector<2000xi32>
    %reduce_min3A_62 = vector.multi_reduction <minsi>, %select_n3A, %reduce_min3A [1] : vector<2000x64xi32> to vector<2000xi32>
    %broadcast_in_dim3A_63 = vector.shape_cast %reduce_min3A_62 : vector<2000xi32> to vector<2000x1xi32>
    %swap3A_64 = arith.constant 0 : index
    %swap3A_65 = arith.constant 0 : index
    %swap3A_66 = vector.load %arg14[%swap3A_64, %swap3A_65] : memref<2000x1xi32, #tpu.memory_space<vmem>>, vector<2000x1xi32>
    tpu.vector_store %arg14[%swap3A_64, %swap3A_65], %broadcast_in_dim3A_63 {strides = array<i32>} : memref<2000x1xi32, #tpu.memory_space<vmem>>, vector<2000x1xi32>,
    return
  }
  func.func @transform_0(%arg0: i32) -> (i32, i32) {
    %c0_i32 = arith.constant 0 : i32
    %c0_i32_0 = arith.constant 0 : i32
    return %arg0, %c0_i32 : i32, i32
  }
  func.func @transform_1(%arg0: i32) -> (i32, i32) {
    %c0_i32 = arith.constant 0 : i32
    %c0_i32_0 = arith.constant 0 : i32
    return %arg0, %c0_i32 : i32, i32
  }
  func.func @transform_2(%arg0: i32) -> (i32, i32) {
    %c0_i32 = arith.constant 0 : i32
    %c0_i32_0 = arith.constant 0 : i32
    return %arg0, %c0_i32 : i32, i32
  }
  func.func @transform_3(%arg0: i32) -> (i32, i32) {
    %c0_i32 = arith.constant 0 : i32
    %c0_i32_0 = arith.constant 0 : i32
    return %arg0, %c0_i32 : i32, i32
  }
  func.func @transform_4(%arg0: i32) -> (i32, i32) {
    %c0_i32 = arith.constant 0 : i32
    %c0_i32_0 = arith.constant 0 : i32
    return %arg0, %c0_i32 : i32, i32
  }
  func.func @transform_5(%arg0: i32) -> (i32, i32) {
    %c0_i32 = arith.constant 0 : i32
    %c0_i32_0 = arith.constant 0 : i32
    %c0_i32_1 = arith.constant 0 : i32
    return %c0_i32, %c0_i32_0 : i32, i32
  }
  func.func @transform_6(%arg0: i32) -> (i32, i32) {
    %c0_i32 = arith.constant 0 : i32
    %c0_i32_0 = arith.constant 0 : i32
    %c0_i32_1 = arith.constant 0 : i32
    return %c0_i32, %c0_i32_0 : i32, i32
  }
  func.func @transform_7(%arg0: i32) -> (i32, i32) {
    %c0_i32 = arith.constant 0 : i32
    %c0_i32_0 = arith.constant 0 : i32
    %c0_i32_1 = arith.constant 0 : i32
    return %c0_i32, %c0_i32_0 : i32, i32
  }
  func.func @transform_8(%arg0: i32) -> (i32, i32) {
    %c0_i32 = arith.constant 0 : i32
    %c0_i32_0 = arith.constant 0 : i32
    %c0_i32_1 = arith.constant 0 : i32
    return %c0_i32, %c0_i32_0 : i32, i32
  }
  func.func @transform_9(%arg0: i32) -> (i32, i32) {
    %c0_i32 = arith.constant 0 : i32
    %c0_i32_0 = arith.constant 0 : i32
    %c0_i32_1 = arith.constant 0 : i32
    return %c0_i32, %c0_i32_0 : i32, i32
  }
  func.func @transform_10(%arg0: i32) -> (i32, i32) {
    %c0_i32 = arith.constant 0 : i32
    %c0_i32_0 = arith.constant 0 : i32
    return %arg0, %c0_i32 : i32, i32
  }
  func.func @transform_11(%arg0: i32) -> (i32, i32) {
    %c0_i32 = arith.constant 0 : i32
    %c0_i32_0 = arith.constant 0 : i32
    return %arg0, %c0_i32 : i32, i32
  }
  func.func @transform_12(%arg0: i32) -> (i32, i32) {
    %c0_i32 = arith.constant 0 : i32
    %c0_i32_0 = arith.constant 0 : i32
    return %arg0, %c0_i32 : i32, i32
  }
  func.func @transform_13(%arg0: i32) -> (i32, i32) {
    %c0_i32 = arith.constant 0 : i32
    %c0_i32_0 = arith.constant 0 : i32
    return %arg0, %c0_i32 : i32, i32
  }
}

</mosaic_0001>

<sc_bundles>
// kernel: kernel.10.cloned.1.call-start
scs
__scs_entry_jumppad:
0x0: {  	(pc) =	sbr.rel $0x88, $3  }
0x1: {  	(tag) =	ssettag $0x0;
	lr =	simm.s32 $0x1  }
0x2: {  	[smem:$0x3F97] =	sst lr;
	_ =	strace $0xD0000000  }
0x3: {  	_ = 	snop  }
0x4: {  	_ = 	snop  }
0x5: {  	_ = 	snop  }
0x6: {  	_ = 	snop  }
0x7: {  	_ = 	snop  }
__scs_overlays_trampoline_lowered:
0x8: {  	[smem:$0x3FA6] =	sst s0  }
0x9: {  	[smem:$0x3FA7] =	sst s1  }
0xa: {  	[smem:$0x3FA8] =	sst s2  }
0xb: {  	[smem:$0x3FA9] =	sst s3  }
0xc: {  	[smem:$0x3FAA] =	sst s4  }
0xd: {  	[smem:$0x3FAB] =	sst s5  }
0xe: {  	[smem:$0x3FAC] =	sst s6  }
0xf: {  	[smem:$0x3FAD] =	sst s7  }
0x10: {  	[smem:$0x3FAE] =	sst s8  }
0x11: {  	[smem:$0x3FAF] =	sst s9;
	s0 =	simm.s32 @!p0 $0x0  }
0x12: {  	s1 =	sld [smem:$0x3F95];
	s0 =	simm.s32 @p0 $0x1  }
0x13: {  	[smem:$0x3FB0] =	sst s0;
	s0 =	simm.s32 @!p1 $0x0  }
0x14: {  	s2 =	sld [smem:$0x3F94];
	s0 =	simm.s32 @p1 $0x1  }
0x15: {  	[smem:$0x3FB1] =	sst s0;
	s0 =	simm.s32 @!p2 $0x0  }
0x16: {  	s3 =	sld [smem:$0x3FDB];
	s0 =	simm.s32 @p2 $0x1  }
0x17: {  	s4 =	simm.s32 $0x1BF5;
	[smem:$0x3FB3] =	sst s0  }
0x18: {  	s0 =	sld [smem:$0x3F96];
	_ =	swait.ge [sflag:s4], $0x0  }
0x19: {  	s7 =	sld [smem:$0x3F97]  }
0x1a: {  	s8 =	sadd.s32 $0xFFFFE003, lr  }
0x1b: {  	s9 =	sadd.s32 $0xFFFFFEF7, lr;
	s5 =	simm.s32 $0xFFFFFFFF;
	p2 =	slt.u32 s8, $0xFFFFF086  }
0x1c: {  	p1 =	slt.u32 s9, $0xF7A;
	s5 =	simm.s32 @!p2 $0x0  }
0x1d: {  	s5 =	simm.s32 @p1 $0x1;
	p0 =	seq.s32 s7, s2  }
0x1e: {  	s7 =	smul.u32 @!p0 $0xF7A, s2;
	p2 =	seq.s32 @!p0 s5, $0x0  }
0x1f: {  	s9 =	smul.u32 $0xF7A, s1;
	s8 =	simm.s32 @!p0 $0x1BF5;
	p2 =	por !p2, p0  }
0x20: {  	[sflag:s8] =	ssyncset.s32 @!p0 $0xFFFFF086;
	s6 =	sadd.s32 @!p0 s3, s7;
	s7 =	simm.s32 @!p0 $0x108  }
0x21: {  	s3 =	sadd.s32 s3, s9;
	s6 =	sadd.s32 @!p0 $0x88, s6;
	s7 =	simm.s32 @p2 $0x1082  }
0x22: {  	[simem:s7], [sflag:s8] =	dma.local @!p0 [hbm:s6], $0xF7A  }
0x23: {  	s9 =	sor.u32 $0xD0000000, s2;
	s6 =	simm.s32 $0x108;
	_ =	swait.ge @!p0 [sflag:s8], $0x0  }
0x24: {  	s3 =	sadd.s32 $0x88, s3;
	s6 =	simm.s32 @!p1 $0x1082;
	[sflag:s4] =	ssyncset.s32 $0xFFFFF086  }
0x25: {  	[simem:s6], [sflag:s4] =	dma.local [hbm:s3], $0xF7A  }
0x26: {  	[smem:$0x3F97] =	sst s1;
	(tag) =	ssettag s2;
	_ =	strace s9  }
0x27: {  	s1 =	sld [smem:$0x3FA7]  }
0x28: {  	s2 =	sld [smem:$0x3FA8]  }
0x29: {  	s4 =	sld [smem:$0x3FAA]  }
0x2a: {  	p0 =	seq.s32 s5, $0x0;
	s5 =	sld [smem:$0x3FAB]  }
0x2b: {  	s6 =	sld [smem:$0x3FAC]  }
0x2c: {  	s7 =	sld [smem:$0x3FAD]  }
0x2d: {  	s3 =	simm.s32 $0x108;
	s8 =	sld [smem:$0x3FAE]  }
0x2e: {  	s3 =	simm.s32 @!p0 $0x1082;
	s9 =	sld [smem:$0x3FAF]  }
0x2f: {  	lr =	sadd.s32 s0, s3;
	s0 =	sld [smem:$0x3FA6]  }
0x30: {  	s3 =	sld [smem:$0x3FA9]  }
0x31: {  	[smem:$0x3FB2] =	sst s10  }
0x32: {  	s10 =	sld [smem:$0x3FB0];
	_ =	sdelay $0x3  }
0x33: {  	p0 =	seq.s32 s10, $0x1;
	s10 =	sld [smem:$0x3FB2];
	_ =	sdelay $0x3  }
0x34: {  	[smem:$0x3FB2] =	sst s10  }
0x35: {  	s10 =	sld [smem:$0x3FB1];
	_ =	sdelay $0x3  }
0x36: {  	p1 =	seq.s32 s10, $0x1;
	s10 =	sld [smem:$0x3FB2];
	_ =	sdelay $0x3  }
0x37: {  	[smem:$0x3FB2] =	sst s10  }
0x38: {  	s10 =	sld [smem:$0x3FB3]  }
0x39: {  	_ = 	snop;
	(pc) =	sbr.ind lr, $3  }
0x3a: {  	_ = 	snop  }
0x3b: {  	_ = 	snop  }
0x3c: {  	p2 =	seq.s32 s10, $0x1;
	s10 =	sld [smem:$0x3FB2]  }
0x3d: {  	_ =	shalt  }
0x3e: {  	_ =	shalt  }
0x3f: {  	_ =	shalt  }
0x40: {  	_ =	shalt  }
0x41: {  	_ =	shalt  }
0x42: {  	_ =	shalt  }
0x43: {  	_ =	shalt  }
0x44: {  	_ =	shalt  }
0x45: {  	_ =	shalt  }
0x46: {  	_ =	shalt  }
0x47: {  	_ =	shalt  }
0x48: {  	_ =	shalt  }
0x49: {  	_ =	shalt  }
0x4a: {  	_ =	shalt  }
0x4b: {  	_ =	shalt  }
0x4c: {  	_ =	shalt  }
0x4d: {  	_ =	shalt  }
0x4e: {  	_ =	shalt  }
0x4f: {  	_ =	shalt  }
0x50: {  	_ =	shalt  }
0x51: {  	_ =	shalt  }
0x52: {  	_ =	shalt  }
0x53: {  	_ =	shalt  }
0x54: {  	_ =	shalt  }
0x55: {  	_ =	shalt  }
0x56: {  	_ =	shalt  }
0x57: {  	_ =	shalt  }
0x58: {  	_ =	shalt  }
0x59: {  	_ =	shalt  }
0x5a: {  	_ =	shalt  }
0x5b: {  	_ =	shalt  }
0x5c: {  	_ =	shalt  }
0x5d: {  	_ =	shalt  }
0x5e: {  	_ =	shalt  }
0x5f: {  	_ =	shalt  }
0x60: {  	_ =	shalt  }
0x61: {  	_ =	shalt  }
0x62: {  	_ =	shalt  }
0x63: {  	_ =	shalt  }
0x64: {  	_ =	shalt  }
0x65: {  	_ =	shalt  }
0x66: {  	_ =	shalt  }
0x67: {  	_ =	shalt  }
0x68: {  	_ =	shalt  }
0x69: {  	_ =	shalt  }
0x6a: {  	_ =	shalt  }
0x6b: {  	_ =	shalt  }
0x6c: {  	_ =	shalt  }
0x6d: {  	_ =	shalt  }
0x6e: {  	_ =	shalt  }
0x6f: {  	_ =	shalt  }
0x70: {  	_ =	shalt  }
0x71: {  	_ =	shalt  }
0x72: {  	_ =	shalt  }
0x73: {  	_ =	shalt  }
0x74: {  	_ =	shalt  }
0x75: {  	_ =	shalt  }
0x76: {  	_ =	shalt  }
0x77: {  	_ =	shalt  }
0x78: {  	_ =	shalt  }
0x79: {  	_ =	shalt  }
0x7a: {  	_ =	shalt  }
0x7b: {  	_ =	shalt  }
0x7c: {  	_ =	shalt  }
0x7d: {  	_ =	shalt  }
0x7e: {  	_ =	shalt  }
0x7f: {  	_ =	shalt  }
0x80: {  	_ =	shalt  }
0x81: {  	_ =	shalt  }
0x82: {  	_ =	shalt  }
0x83: {  	_ =	shalt  }
0x84: {  	_ =	shalt  }
0x85: {  	_ =	shalt  }
0x86: {  	_ =	shalt  }
0x87: {  	_ =	shalt  }
.Lfunc_end0:
.L_simem_size_0:
called_computation.1_lowered:
.L_overlay_start_0:
0x88: {  	s2 =	sld [smem:$0x3FD9]  }
0x89: {  	s3 =	sld [smem:$0x3FFE];
	_ =	sdelay $0x1  }
0x8a: {  	s1 =	srdreg.scid  }
0x8b: {  	s0 =	sand.u32 $0x1, s1  }
0x8c: {  	s15 =	sshll.u32 s0, $0xA;
	s2 =	sadd.s32 s3, s2  }
0x8d: {  	s2 =	sadd.s32 s2, s15  }
0x8e: {  	[smem:$0x3FBE] =	sst s2  }
0x8f: {  	_ = 	snop  }
0x90: {  	s2 =	sld [smem:$0x3FD0];
	_ =	sdelay $0x2  }
0x91: {  	s4 =	simm.s32 $0xB;
	s16 =	simm.s32 $0x10  }
0x92: {  	[smem:s16], [sflag:s4] =	dma.local [hbm:s2], $0x1  }
0x93: {  	_ =	swait.eq [sflag:s4], $0x1  }
0x94: {  	[sflag:s4] =	ssyncset.done $0x0  }
0x95: {  	s17 =	sld [smem:$0x11];
	[sflag:s4] =	ssyncadd.s32 $0xFFFFFFFF  }
0x96: {  	s18 =	sld [smem:$0x12];
	(tm) =	ssettm $0x1  }
0x97: {  	s19 =	sld [smem:$0x3FFB];
	_ =	sdelay $0x3  }
0x98: {  	_ =	strace s19  }
0x99: {  	s2 =	sld [smem:$0x3FFC];
	_ =	sdelay $0x3  }
0x9a: {  	_ =	strace s2  }
0x9b: {  	s2 =	sld [smem:$0x3FFD];
	_ =	sdelay $0x3  }
0x9c: {  	_ =	strace s2  }
0x9d: {  	_ =	strace $0x8FFFFFFF  }
0x9e: {  	s20 =	sld [smem:$0x3FDB];
	_ =	sdelay $0x1  }
0x9f: {  	s5 =	simm.s32 $_scs_section_size  }
0xa0: {  	s6 =	simm.s32 $_size__tile_overlayer_lowered;
	s7 =	simm.s32 $_tile_overlayer_lowered  }
0xa1: {  	s8 =	simm.s32 $0x1BFF;
	s21 =	sshll.u32 s7, $0x1;
	s5 =	sadd.s32 s5, s20  }
0xa2: {  	s22 =	simm.s32 $0x0;
	s6 =	sshll.u32 s6, $0x1;
	s7 =	sadd.s32 s21, s5  }
0xa3: {  	[timem:s22], [sflag:s8] =	dma.local [hbm:s7], s6  }
0xa4: {  	_ =	swait.ge [sflag:s8], s6  }
0xa5: {  	s6 =	ssub.s32 $0x0, s6;
	[sflag:s8] =	ssyncset.done $0x0  }
0xa6: {  	[sflag:s8] =	ssyncadd.s32 s6;
	_ =	sdelay $0x1  }
0xa7: {  	s23 =	simm.s32 $0x1B8B  }
0xa8: {  	_ =	swait.ge [sflag:s23], $0x1  }
0xa9: {  	[sflag:s23] =	ssyncset.done $0x0  }
0xaa: {  	[sflag:s23] =	ssyncadd.s32 $0xFFFFFFFF  }
0xab: {  	s6 =	sld [smem:$0x0]  }
0xac: {  	s7 =	sand.u32 $0xFFFFFFFE, s1  }
0xad: {  	p0 =	sne.s32 s1, s7  }
0xae: {  	s7 =	sshll.u32 @p0 s7, $0xE  }
0xaf: {  	s7 =	sadd.s32 @p0 $0x11B8D, s7;
	s8 =	sshll.u32 @p0 s6, $0x11  }
0xb0: {  	s7 =	sor.u32 @p0 s8, s7  }
0xb1: {  	[sflag:s7] =	ssyncadd.remote.s32 @p0 $0x1;
	_ =	sdelay $0x1  }
0xb2: {  	s7 =	simm.s32 @p0 $0x1B8D  }
0xb3: {  	_ =	swait.eq @p0 [sflag:s7], $0x1  }
0xb4: {  	[sflag:s7] =	ssyncadd.s32 @p0 $0xFFFFFFFF  }
0xb5: {  	s8 =	sshll.u32 @!p0 s1, $0xE  }
0xb6: {  	s8 =	sor.u32 @!p0 $0x4000, s8;
	s7 =	simm.s32 @!p0 $0x1B8D  }
0xb7: {  	s6 =	sshll.u32 @!p0 s6, $0x11;
	s8 =	sadd.s32 @!p0 $0x11B8D, s8;
	_ =	swait.eq @!p0 [sflag:s7], $0x1  }
0xb8: {  	s6 =	sor.u32 @!p0 s6, s8;
	[sflag:s7] =	ssyncadd.s32 @!p0 $0xFFFFFFFF  }
0xb9: {  	s25 =	simm.s32 $0x1B8E;
	s24 =	sld [smem:$0x3FFE];
	[sflag:s6] =	ssyncadd.remote.s32 @!p0 $0x1  }
0xba: {  	s26 =	simm.s32 $execute0_lowered;
	[smem:$0x3FD2] =	sst s25  }
0xbb: {  	s7 =	sshll.u32 s26, $0x1;
	_ =	strace $0x80000049;
	[dreg:$0x1] =	wrdreg $0xFFFFFFFF  }
0xbc: {  	s28 =	simm.s32 $_size_execute0_lowered;
	s5 =	sadd.s32 s5, s7;
	[dreg:$0x0] =	wrdreg $0x0  }
0xbd: {  	s7 =	sshll.u32 s28, $0x1;
	[dreg:$0x2] =	wrdreg s5  }
0xbe: {  	[dreg:$0x3] =	wrdreg s7  }
0xbf: {  	[dreg:$0x4] =	wrdreg $0xC0  }
0xc0: {  	_ =	task [dreg:s22], $0x5FFFF  }
0xc1: {  	[dreg:$0x1] =	wrdreg $0xFFFFFFFF  }
0xc2: {  	[dreg:$0x0] =	wrdreg $0x60  }
0xc3: {  	[dreg:$0x2] =	wrdreg s18  }
0xc4: {  	[dreg:$0x3] =	wrdreg s24  }
0xc5: {  	[dreg:$0x4] =	wrdreg s17  }
0xc6: {  	[dreg:$0x5] =	wrdreg $0x80800  }
0xc7: {  	[dreg:$0x6] =	wrdreg $0xA  }
0xc8: {  	_ =	task.clear_ibuf [dreg:s22], $0x7FFFF;
	_ =	strace $0x90000049  }
0xc9: {  	s29 =	simm.s32 $0xA;
	_ =	strace $0x8000004B  }
0xca: {  	_ =	swait.ge [sflag:s29], $0x1  }
0xcb: {  	[sflag:s29] =	ssyncadd.s32 $0xFFFFFFFF  }
0xcc: {  	_ =	strace $0x9000004B  }
0xcd: {  	_ =	sfence  }
0xce: {  	s30 =	sld [smem:$0x0];
	_ =	sdelay $0x2  }
0xcf: {  	s31 =	sshll.u32 s1, $0xD;
	s1 =	sshrl.u32 s1, $0x2  }
0xd0: {  	s4 =	sand.u32 $0x4000, s31;
	s1 =	sadd.s32 s1, s30  }
0xd1: {  	s0 =	sor.u32 s4, s0;
	s1 =	sshll.u32 s1, $0x11  }
0xd2: {  	s0 =	sor.u32 s1, s0  }
0xd3: {  	s0 =	sadd.s32 $0x8F2B, s0  }
0xd4: {  	[sflag:s0] =	ssyncadd.remote.s32 $0x1  }
0xd5: {  	_ =	sfence.sel $0xFFFF  }
0xd6: {  	[dreg:$0x0] =	wrdreg $0xFFFFFFFF;
	(pc) =	sbr.abs _section_cstart, $3  }
0xd7: {  	[dreg:$0x1] =	wrdreg $0xFFFFFFFF  }
0xd8: {  	_ =	task.clear_ibuf [dreg:s22], $0x2FFFF;
	_ =	strace $0x9FFFFFFF  }
0xd9: {  	(tm) =	ssettm $0x7FFFFFFF  }
tec
execute0_lowered:
.L_overlay_start_1:
0x0: {  	(tag) =	ssettag $0x1  }
0x1: {  	s16 =	rddreg [dreg:$0x0]  }
0x2: {  	s6 =	rddreg [dreg:$0x1]  }
0x3: {  	s1 =	rddreg [dreg:$0x2]  }
0x4: {  	s3 =	rddreg [dreg:$0x3]  }
0x5: {  	s0 =	rddreg [dreg:$0x4];
	s2 =	stileid.u32  }
0x6: {  	s4 =	simm.s32 $0x0;
	s5 =	srdreg.scid;
	s7 =	smul.u32 $0x50000, s2  }
0x7: {  	[smem:$0x7FF] =	sst s4;
	s11 =	smul.u32 $0x14000, s2  }
0x8: {  	s14 =	sand.u32 $0x1, s5;
	s5 =	sadd.s32 $0x2600, s6;
	s30 =	smul.u32 $0x9E0, s2  }
0x9: {  	s15 =	sadd.s32 $0x52E00, s6;
	s8 =	ssub.s32 $0x2, s14;
	s20 =	smul.u32 $0x140000, s14  }
0xa: {  	_ =	strace $0x8000004A;
	s21 =	smul.u32 $0x4F0, s14;
	s28 =	sshrl.u32 s8, $0x1  }
0xb: {  	s29 =	sshrl.u32 s7, $0x2;
	s12 =	sadd.s32 $0x4000, s11;
	s13 =	sadd.s32 $0x8000, s11  }
0xc: {  	s18 =	sadd.s32 $0xC000, s11;
	s19 =	sadd.s32 $0x10000, s11;
	s31 =	sadd.s32 s30, s16  }
0xd: {  	s17 =	ssub.s32 s8, s28;
	s6 =	sadd.s32 s29, s3;
	s7 =	sadd.s32 s12, s3  }
0xe: {  	s8 =	sadd.s32 s13, s3;
	s9 =	sadd.s32 s18, s3;
	s10 =	sadd.s32 s19, s3  }
0xf: {  	s11 =	sadd.s32 s11, s20;
	s12 =	sadd.s32 s20, s12;
	s13 =	sadd.s32 s20, s13  }
0x10: {  	s18 =	sadd.s32 s20, s18;
	s19 =	sadd.s32 s20, s19;
	s20 =	simm.s32 $0x80  }
0x11: {  	s11 =	sshrl.u32 s11, $0x3;
	s12 =	sshrl.u32 s12, $0x3;
	s13 =	sshrl.u32 s13, $0x3  }
0x12: {  	s18 =	sshrl.u32 s18, $0x3;
	s19 =	sshrl.u32 s19, $0x3;
	s16 =	smax.u32 s17, $0x1  }
0x13: {  	s17 =	sadd.s32 s21, s31;
	s21 =	simm.s32 $0x0;
	s11 =	sadd.s32 s15, s11  }
0x14: {  	s12 =	sadd.s32 s15, s12;
	s13 =	sadd.s32 s15, s13;
	s14 =	sadd.s32 s15, s18  }
0x15: {  	s15 =	sadd.s32 s15, s19;
	s18 =	simm.s32 $0x4080;
	s19 =	simm.s32 $0x1  }
.LBB2_1:
0x16: {  	[tilespmem:s18], [sflag:$0x1] =	stream.linear.gather [hbm4b:s5+s4], $0x4000, $0x38;
	[tilespmem:$0x1C080] =	vst v63  }
0x17: {  	_ =	swait.ge [sflag:s19], $0x4000  }
0x18: {  	[sflag:s19] =	ssyncset.done $0x0  }
0x19: {  	[sflag:s19] =	ssyncadd.s32 $0xFFFFC000  }
0x1a: {  	[spmem:s6] =	stream.linear.scatter [tilespmem:s18], [sflag:$0x1], $0x4000, $0x38;
	[tilespmem:$0x1C080] =	vst v63  }
0x1b: {  	_ =	swait.ge [sflag:s19], $0x4000  }
0x1c: {  	[sflag:s19] =	ssyncset.done $0x0  }
0x1d: {  	[sflag:s19] =	ssyncadd.s32 $0xFFFFC000  }
0x1e: {  	[spmem:s7] =	stream.linear.scatter [tilespmem:s18], [sflag:$0x1], $0x4000, $0x38;
	[tilespmem:$0x1C080] =	vst v63  }
0x1f: {  	_ =	swait.ge [sflag:s19], $0x4000  }
0x20: {  	[sflag:s19] =	ssyncset.done $0x0  }
0x21: {  	[sflag:s19] =	ssyncadd.s32 $0xFFFFC000  }
0x22: {  	[spmem:s8] =	stream.linear.scatter [tilespmem:s18], [sflag:$0x1], $0x4000, $0x38;
	[tilespmem:$0x1C080] =	vst v63  }
0x23: {  	_ =	swait.ge [sflag:s19], $0x4000  }
0x24: {  	[sflag:s19] =	ssyncset.done $0x0  }
0x25: {  	[sflag:s19] =	ssyncadd.s32 $0xFFFFC000  }
0x26: {  	[spmem:s9] =	stream.linear.scatter [tilespmem:s18], [sflag:$0x1], $0x4000, $0x38;
	[tilespmem:$0x1C080] =	vst v63  }
0x27: {  	_ =	swait.ge [sflag:s19], $0x4000  }
0x28: {  	[sflag:s19] =	ssyncset.done $0x0  }
0x29: {  	[sflag:s19] =	ssyncadd.s32 $0xFFFFC000  }
0x2a: {  	[spmem:s10] =	stream.linear.scatter [tilespmem:s18], [sflag:$0x1], $0x4000, $0x38;
	[tilespmem:$0x1C080] =	vst v63  }
0x2b: {  	_ =	swait.ge [sflag:s19], $0x4000  }
0x2c: {  	[sflag:s19] =	ssyncset.done $0x0  }
0x2d: {  	[sflag:s19] =	ssyncadd.s32 $0xFFFFC000  }
0x2e: {  	[tilespmem:s20], [sflag:$0x1] =	stream.linear.gather [hbm4b:s1+s4], $0x4000, $0x38;
	[tilespmem:$0x1C080] =	vst v63  }
0x2f: {  	_ =	swait.ge [sflag:s19], $0x4000  }
0x30: {  	[sflag:s19] =	ssyncset.done $0x0  }
0x31: {  	[sflag:s19] =	ssyncadd.s32 $0xFFFFC000  }
0x32: {  	s22 =	sadd.s32 $0x0, s17;
	[bflag:$0x0] =	sbarrier.arrive $0xFFFF  }
0x33: {  	[tilespmem:s4], [sflag:$0x1] =	stream.linear.gather [hbm4b:s22+s4], $0x80, $0x38;
	[tilespmem:$0x1C080] =	vst v63  }
0x34: {  	_ =	swait.ge [sflag:s19], $0x80  }
0x35: {  	[sflag:s19] =	ssyncset.done $0x0  }
0x36: {  	[sflag:s19] =	ssyncadd.s32 $0xFFFFFF80  }
0x37: {  	[spmem:s3] =	stream.indirect.scatter.add.f32 [tilespmem:s20], [sflag:$0x1], $0x80, s4, s20, $0xb8;
	[tilespmem:$0x1C080] =	vst v63  }
0x38: {  	_ =	swait.ge [sflag:s19], $0x4000  }
0x39: {  	s23 =	simm.s32 $0x20;
	s22 =	simm.s32 $0x10;
	[sflag:s19] =	ssyncset.done $0x0  }
.LBB2_2:
0x3a: {  	s24 =	sadd.s32 s22, s17  }
0x3b: {  	[sflag:s19] =	ssyncadd.s32 $0xFFFFC000;
	s22 =	smov.u32 s23;
	s25 =	sadd.s32 $0x10, s23  }
0x3c: {  	[tilespmem:s4], [sflag:$0x1] =	stream.linear.gather [hbm4b:s24+s4], $0x80, $0x38;
	[tilespmem:$0x1C080] =	vst v63  }
0x3d: {  	p0 =	sne.s32 s23, $0x4E0;
	_ =	swait.ge [sflag:s19], $0x80  }
.Ltmp0:
0x3e: {  	[sflag:s19] =	ssyncset.done $0x0;
	(pc) =	sbr.rel @p0 .LBB2_2-.Ltmp0, $4  }
0x3f: {  	[sflag:s19] =	ssyncadd.s32 $0xFFFFFF80  }
0x40: {  	[spmem:s3] =	stream.indirect.scatter.add.f32 [tilespmem:s20], [sflag:$0x1], $0x80, s4, s20, $0xb8;
	[tilespmem:$0x1C080] =	vst v63  }
0x41: {  	_ =	swait.ge [sflag:s19], $0x4000  }
0x42: {  	s23 =	smov.u32 s25;
	[sflag:s19] =	ssyncset.done $0x0  }
0x43: {  	s22 =	sadd.s32 s22, s17;
	[sflag:s19] =	ssyncadd.s32 $0xFFFFC000  }
0x44: {  	[tilespmem:s4], [sflag:$0x1] =	stream.linear.gather [hbm4b:s22+s4], $0x80, $0x38;
	[tilespmem:$0x1C080] =	vst v63  }
0x45: {  	_ =	swait.ge [sflag:s19], $0x80  }
0x46: {  	[sflag:s19] =	ssyncset.done $0x0  }
0x47: {  	[sflag:s19] =	ssyncadd.s32 $0xFFFFFF80  }
0x48: {  	[spmem:s3] =	stream.indirect.scatter.add.f32 [tilespmem:s20], [sflag:$0x1], $0x80, s4, s20, $0xb8;
	[tilespmem:$0x1C080] =	vst v63  }
0x49: {  	_ =	swait.ge [sflag:s19], $0x4000  }
0x4a: {  	[sflag:s19] =	ssyncset.done $0x0  }
0x4b: {  	[sflag:s19] =	ssyncadd.s32 $0xFFFFC000  }
0x4c: {  	[bflag:$0x0] =	sbarrier.arrive $0xFFFF  }
0x4d: {  	[tilespmem:s18], [sflag:$0x1] =	stream.linear.gather [spmem:s6], $0x4000, $0x38;
	[tilespmem:$0x1C080] =	vst v63  }
0x4e: {  	_ =	swait.ge [sflag:s19], $0x4000  }
0x4f: {  	[sflag:s19] =	ssyncset.done $0x0  }
0x50: {  	[sflag:s19] =	ssyncadd.s32 $0xFFFFC000  }
0x51: {  	[hbm4b:s11+s4] =	stream.linear.scatter [tilespmem:s18], [sflag:$0x1], $0x4000, $0x38;
	[tilespmem:$0x1C080] =	vst v63  }
0x52: {  	_ =	swait.ge [sflag:s19], $0x4000  }
0x53: {  	[sflag:s19] =	ssyncset.done $0x0  }
0x54: {  	[sflag:s19] =	ssyncadd.s32 $0xFFFFC000  }
0x55: {  	[tilespmem:s18], [sflag:$0x1] =	stream.linear.gather [spmem:s7], $0x4000, $0x38;
	[tilespmem:$0x1C080] =	vst v63  }
0x56: {  	_ =	swait.ge [sflag:s19], $0x4000  }
0x57: {  	[sflag:s19] =	ssyncset.done $0x0  }
0x58: {  	[sflag:s19] =	ssyncadd.s32 $0xFFFFC000  }
0x59: {  	[hbm4b:s12+s4] =	stream.linear.scatter [tilespmem:s18], [sflag:$0x1], $0x4000, $0x38;
	[tilespmem:$0x1C080] =	vst v63  }
0x5a: {  	_ =	swait.ge [sflag:s19], $0x4000  }
0x5b: {  	[sflag:s19] =	ssyncset.done $0x0  }
0x5c: {  	[sflag:s19] =	ssyncadd.s32 $0xFFFFC000  }
0x5d: {  	[tilespmem:s18], [sflag:$0x1] =	stream.linear.gather [spmem:s8], $0x4000, $0x38;
	[tilespmem:$0x1C080] =	vst v63  }
0x5e: {  	_ =	swait.ge [sflag:s19], $0x4000  }
0x5f: {  	[sflag:s19] =	ssyncset.done $0x0  }
0x60: {  	[sflag:s19] =	ssyncadd.s32 $0xFFFFC000  }
0x61: {  	[hbm4b:s13+s4] =	stream.linear.scatter [tilespmem:s18], [sflag:$0x1], $0x4000, $0x38;
	[tilespmem:$0x1C080] =	vst v63  }
0x62: {  	_ =	swait.ge [sflag:s19], $0x4000  }
0x63: {  	[sflag:s19] =	ssyncset.done $0x0  }
0x64: {  	[sflag:s19] =	ssyncadd.s32 $0xFFFFC000  }
0x65: {  	[tilespmem:s18], [sflag:$0x1] =	stream.linear.gather [spmem:s9], $0x4000, $0x38;
	[tilespmem:$0x1C080] =	vst v63  }
0x66: {  	_ =	swait.ge [sflag:s19], $0x4000  }
0x67: {  	[sflag:s19] =	ssyncset.done $0x0  }
0x68: {  	[sflag:s19] =	ssyncadd.s32 $0xFFFFC000  }
0x69: {  	[hbm4b:s14+s4] =	stream.linear.scatter [tilespmem:s18], [sflag:$0x1], $0x4000, $0x38;
	[tilespmem:$0x1C080] =	vst v63  }
0x6a: {  	_ =	swait.ge [sflag:s19], $0x4000  }
0x6b: {  	[sflag:s19] =	ssyncset.done $0x0  }
0x6c: {  	[sflag:s19] =	ssyncadd.s32 $0xFFFFC000  }
0x6d: {  	[tilespmem:s18], [sflag:$0x1] =	stream.linear.gather [spmem:s10], $0x4000, $0x38;
	[tilespmem:$0x1C080] =	vst v63  }
0x6e: {  	s21 =	sadd.s32 $0x1, s21;
	_ =	swait.ge [sflag:s19], $0x4000  }
0x6f: {  	p0 =	sne.s32 s21, s16;
	[sflag:s19] =	ssyncset.done $0x0  }
.Ltmp1:
0x70: {  	[sflag:s19] =	ssyncadd.s32 $0xFFFFC000;
	(pc) =	sbr.rel @p0 .LBB2_1-.Ltmp1, $4  }
0x71: {  	[hbm4b:s15+s4] =	stream.linear.scatter [tilespmem:s18], [sflag:$0x1], $0x4000, $0x38;
	[tilespmem:$0x1C080] =	vst v63  }
0x72: {  	_ =	swait.ge [sflag:s19], $0x4000  }
0x73: {  	[sflag:s19] =	ssyncset.done $0x0  }
0x74: {  	[sflag:s19] =	ssyncadd.s32 $0xFFFFC000  }
0x75: {  	_ =	sfence.sel $0x180000  }
0x76: {  	[bflag:$0x0] =	sbarrier.arrive $0xFFFF  }
0x77: {  	p0 =	sne.s32 s2, $0x0;
	_ =	strace $0x9000004A  }
0x78: {  	s0 =	sadd.s32 @!p0 $0x100000, s0;
	[bflag:$0x2] =	sbarrier.arrive $0xFFFF  }
0x79: {  	[sflag:s0] =	ssyncadd.tile.s32 @!p0 $0x1;
	_ =	shalt  }
.Lfunc_end2:
_tile_overlayer_lowered:
.L_overlay_start_2:
0x7a: {  	(tag) =	ssettag $0x2  }
0x7b: {  	s0 =	rddreg [dreg:$0x0];
	s2 =	stileid.u32  }
0x7c: {  	s1 =	rddreg [dreg:$0x1];
	p0 =	sne.s32 s2, $0x0  }
0x7d: {  	s3 =	rddreg [dreg:$0x2];
	[bflag:$0x3] =	sbarrier.arrive $0xFFFF;
	s2 =	simm.s32 @!p0 $0x1C01  }
0x7e: {  	[timem:s3], [sflag:s2] =	dma.local @!p0 [hbm:s0], s1  }
0x7f: {  	s0 =	simm.s32 @!p0 $0x1  }
0x80: {  	_ =	swait.ge @!p0 [sflag:s0], s1  }
0x81: {  	s1 =	ssub.s32 @!p0 $0x0, s1;
	[sflag:s0] =	ssyncset.done @!p0 $0x0  }
0x82: {  	[sflag:s0] =	ssyncadd.s32 @!p0 s1  }
0x83: {  	[bflag:$0x3] =	sbarrier.arrive $0xFFFF  }
0x84: {  	_ =	shalt  }

// kernel: kernel.13.cloned.1.call-start
scs
__scs_entry_jumppad:
0x0: {  	(pc) =	sbr.rel $0x88, $3  }
0x1: {  	(tag) =	ssettag $0x0;
	lr =	simm.s32 $0x1  }
0x2: {  	[smem:$0x3F97] =	sst lr;
	_ =	strace $0xD0000000  }
0x3: {  	_ = 	snop  }
0x4: {  	_ = 	snop  }
0x5: {  	_ = 	snop  }
0x6: {  	_ = 	snop  }
0x7: {  	_ = 	snop  }
__scs_overlays_trampoline_lowered:
0x8: {  	[smem:$0x3FA6] =	sst s0  }
0x9: {  	[smem:$0x3FA7] =	sst s1  }
0xa: {  	[smem:$0x3FA8] =	sst s2  }
0xb: {  	[smem:$0x3FA9] =	sst s3  }
0xc: {  	[smem:$0x3FAA] =	sst s4  }
0xd: {  	[smem:$0x3FAB] =	sst s5  }
0xe: {  	[smem:$0x3FAC] =	sst s6  }
0xf: {  	[smem:$0x3FAD] =	sst s7  }
0x10: {  	[smem:$0x3FAE] =	sst s8  }
0x11: {  	[smem:$0x3FAF] =	sst s9;
	s0 =	simm.s32 @!p0 $0x0  }
0x12: {  	s1 =	sld [smem:$0x3F95];
	s0 =	simm.s32 @p0 $0x1  }
0x13: {  	[smem:$0x3FB0] =	sst s0;
	s0 =	simm.s32 @!p1 $0x0  }
0x14: {  	s2 =	sld [smem:$0x3F94];
	s0 =	simm.s32 @p1 $0x1  }
0x15: {  	[smem:$0x3FB1] =	sst s0;
	s0 =	simm.s32 @!p2 $0x0  }
0x16: {  	s3 =	sld [smem:$0x3FDB];
	s0 =	simm.s32 @p2 $0x1  }
0x17: {  	s4 =	simm.s32 $0x1BF5;
	[smem:$0x3FB3] =	sst s0  }
0x18: {  	s0 =	sld [smem:$0x3F96];
	_ =	swait.ge [sflag:s4], $0x0  }
0x19: {  	s7 =	sld [smem:$0x3F97]  }
0x1a: {  	s8 =	sadd.s32 $0xFFFFE003, lr  }
0x1b: {  	s9 =	sadd.s32 $0xFFFFFEF7, lr;
	s5 =	simm.s32 $0xFFFFFFFF;
	p2 =	slt.u32 s8, $0xFFFFF086  }
0x1c: {  	p1 =	slt.u32 s9, $0xF7A;
	s5 =	simm.s32 @!p2 $0x0  }
0x1d: {  	s5 =	simm.s32 @p1 $0x1;
	p0 =	seq.s32 s7, s2  }
0x1e: {  	s7 =	smul.u32 @!p0 $0xF7A, s2;
	p2 =	seq.s32 @!p0 s5, $0x0  }
0x1f: {  	s9 =	smul.u32 $0xF7A, s1;
	s8 =	simm.s32 @!p0 $0x1BF5;
	p2 =	por !p2, p0  }
0x20: {  	[sflag:s8] =	ssyncset.s32 @!p0 $0xFFFFF086;
	s6 =	sadd.s32 @!p0 s3, s7;
	s7 =	simm.s32 @!p0 $0x108  }
0x21: {  	s3 =	sadd.s32 s3, s9;
	s6 =	sadd.s32 @!p0 $0x88, s6;
	s7 =	simm.s32 @p2 $0x1082  }
0x22: {  	[simem:s7], [sflag:s8] =	dma.local @!p0 [hbm:s6], $0xF7A  }
0x23: {  	s9 =	sor.u32 $0xD0000000, s2;
	s6 =	simm.s32 $0x108;
	_ =	swait.ge @!p0 [sflag:s8], $0x0  }
0x24: {  	s3 =	sadd.s32 $0x88, s3;
	s6 =	simm.s32 @!p1 $0x1082;
	[sflag:s4] =	ssyncset.s32 $0xFFFFF086  }
0x25: {  	[simem:s6], [sflag:s4] =	dma.local [hbm:s3], $0xF7A  }
0x26: {  	[smem:$0x3F97] =	sst s1;
	(tag) =	ssettag s2;
	_ =	strace s9  }
0x27: {  	s1 =	sld [smem:$0x3FA7]  }
0x28: {  	s2 =	sld [smem:$0x3FA8]  }
0x29: {  	s4 =	sld [smem:$0x3FAA]  }
0x2a: {  	p0 =	seq.s32 s5, $0x0;
	s5 =	sld [smem:$0x3FAB]  }
0x2b: {  	s6 =	sld [smem:$0x3FAC]  }
0x2c: {  	s7 =	sld [smem:$0x3FAD]  }
0x2d: {  	s3 =	simm.s32 $0x108;
	s8 =	sld [smem:$0x3FAE]  }
0x2e: {  	s3 =	simm.s32 @!p0 $0x1082;
	s9 =	sld [smem:$0x3FAF]  }
0x2f: {  	lr =	sadd.s32 s0, s3;
	s0 =	sld [smem:$0x3FA6]  }
0x30: {  	s3 =	sld [smem:$0x3FA9]  }
0x31: {  	[smem:$0x3FB2] =	sst s10  }
0x32: {  	s10 =	sld [smem:$0x3FB0];
	_ =	sdelay $0x3  }
0x33: {  	p0 =	seq.s32 s10, $0x1;
	s10 =	sld [smem:$0x3FB2];
	_ =	sdelay $0x3  }
0x34: {  	[smem:$0x3FB2] =	sst s10  }
0x35: {  	s10 =	sld [smem:$0x3FB1];
	_ =	sdelay $0x3  }
0x36: {  	p1 =	seq.s32 s10, $0x1;
	s10 =	sld [smem:$0x3FB2];
	_ =	sdelay $0x3  }
0x37: {  	[smem:$0x3FB2] =	sst s10  }
0x38: {  	s10 =	sld [smem:$0x3FB3]  }
0x39: {  	_ = 	snop;
	(pc) =	sbr.ind lr, $3  }
0x3a: {  	_ = 	snop  }
0x3b: {  	_ = 	snop  }
0x3c: {  	p2 =	seq.s32 s10, $0x1;
	s10 =	sld [smem:$0x3FB2]  }
0x3d: {  	_ =	shalt  }
0x3e: {  	_ =	shalt  }
0x3f: {  	_ =	shalt  }
0x40: {  	_ =	shalt  }
0x41: {  	_ =	shalt  }
0x42: {  	_ =	shalt  }
0x43: {  	_ =	shalt  }
0x44: {  	_ =	shalt  }
0x45: {  	_ =	shalt  }
0x46: {  	_ =	shalt  }
0x47: {  	_ =	shalt  }
0x48: {  	_ =	shalt  }
0x49: {  	_ =	shalt  }
0x4a: {  	_ =	shalt  }
0x4b: {  	_ =	shalt  }
0x4c: {  	_ =	shalt  }
0x4d: {  	_ =	shalt  }
0x4e: {  	_ =	shalt  }
0x4f: {  	_ =	shalt  }
0x50: {  	_ =	shalt  }
0x51: {  	_ =	shalt  }
0x52: {  	_ =	shalt  }
0x53: {  	_ =	shalt  }
0x54: {  	_ =	shalt  }
0x55: {  	_ =	shalt  }
0x56: {  	_ =	shalt  }
0x57: {  	_ =	shalt  }
0x58: {  	_ =	shalt  }
0x59: {  	_ =	shalt  }
0x5a: {  	_ =	shalt  }
0x5b: {  	_ =	shalt  }
0x5c: {  	_ =	shalt  }
0x5d: {  	_ =	shalt  }
0x5e: {  	_ =	shalt  }
0x5f: {  	_ =	shalt  }
0x60: {  	_ =	shalt  }
0x61: {  	_ =	shalt  }
0x62: {  	_ =	shalt  }
0x63: {  	_ =	shalt  }
0x64: {  	_ =	shalt  }
0x65: {  	_ =	shalt  }
0x66: {  	_ =	shalt  }
0x67: {  	_ =	shalt  }
0x68: {  	_ =	shalt  }
0x69: {  	_ =	shalt  }
0x6a: {  	_ =	shalt  }
0x6b: {  	_ =	shalt  }
0x6c: {  	_ =	shalt  }
0x6d: {  	_ =	shalt  }
0x6e: {  	_ =	shalt  }
0x6f: {  	_ =	shalt  }
0x70: {  	_ =	shalt  }
0x71: {  	_ =	shalt  }
0x72: {  	_ =	shalt  }
0x73: {  	_ =	shalt  }
0x74: {  	_ =	shalt  }
0x75: {  	_ =	shalt  }
0x76: {  	_ =	shalt  }
0x77: {  	_ =	shalt  }
0x78: {  	_ =	shalt  }
0x79: {  	_ =	shalt  }
0x7a: {  	_ =	shalt  }
0x7b: {  	_ =	shalt  }
0x7c: {  	_ =	shalt  }
0x7d: {  	_ =	shalt  }
0x7e: {  	_ =	shalt  }
0x7f: {  	_ =	shalt  }
0x80: {  	_ =	shalt  }
0x81: {  	_ =	shalt  }
0x82: {  	_ =	shalt  }
0x83: {  	_ =	shalt  }
0x84: {  	_ =	shalt  }
0x85: {  	_ =	shalt  }
0x86: {  	_ =	shalt  }
0x87: {  	_ =	shalt  }
.Lfunc_end0:
.L_simem_size_0:
called_computation.2_lowered:
.L_overlay_start_0:
0x88: {  	s2 =	sld [smem:$0x3FD9]  }
0x89: {  	s3 =	sld [smem:$0x3FFE];
	_ =	sdelay $0x1  }
0x8a: {  	s1 =	srdreg.scid  }
0x8b: {  	s0 =	sand.u32 $0x1, s1  }
0x8c: {  	s14 =	sshll.u32 s0, $0xA;
	s2 =	sadd.s32 s3, s2  }
0x8d: {  	s2 =	sadd.s32 s2, s14  }
0x8e: {  	[smem:$0x3FBE] =	sst s2  }
0x8f: {  	_ = 	snop  }
0x90: {  	s2 =	sld [smem:$0x3FD0];
	_ =	sdelay $0x2  }
0x91: {  	s15 =	simm.s32 $0xB;
	s4 =	simm.s32 $0x10  }
0x92: {  	[smem:s4], [sflag:s15] =	dma.local [hbm:s2], $0x1  }
0x93: {  	_ =	swait.eq [sflag:s15], $0x1  }
0x94: {  	s16 =	sld [smem:$0x10];
	[sflag:s15] =	ssyncset.done $0x0  }
0x95: {  	s17 =	sld [smem:$0x11];
	[sflag:s15] =	ssyncadd.s32 $0xFFFFFFFF  }
0x96: {  	s18 =	sld [smem:$0x12];
	(tm) =	ssettm $0x1  }
0x97: {  	s5 =	sld [smem:$0x3FFB];
	_ =	sdelay $0x3  }
0x98: {  	_ =	strace s5  }
0x99: {  	s5 =	sld [smem:$0x3FFC];
	_ =	sdelay $0x3  }
0x9a: {  	_ =	strace s5  }
0x9b: {  	s5 =	sld [smem:$0x3FFD];
	_ =	sdelay $0x3  }
0x9c: {  	_ =	strace s5  }
0x9d: {  	_ =	strace $0x8FFFFFFF  }
0x9e: {  	s19 =	sld [smem:$0x3FDB];
	_ =	sdelay $0x1  }
0x9f: {  	s6 =	simm.s32 $_scs_section_size  }
0xa0: {  	s7 =	simm.s32 $_size__tile_overlayer_lowered;
	s8 =	simm.s32 $_tile_overlayer_lowered  }
0xa1: {  	s22 =	simm.s32 $0x1BFF;
	s21 =	sshll.u32 s8, $0x1;
	s5 =	sadd.s32 s6, s19  }
0xa2: {  	s9 =	simm.s32 $0x0;
	s20 =	sshll.u32 s7, $0x1;
	s7 =	sadd.s32 s21, s5  }
0xa3: {  	[timem:s9], [sflag:s22] =	dma.local [hbm:s7], s20  }
0xa4: {  	_ =	swait.ge [sflag:s22], s20  }
0xa5: {  	s6 =	ssub.s32 $0x0, s20;
	[sflag:s22] =	ssyncset.done $0x0  }
0xa6: {  	[sflag:s22] =	ssyncadd.s32 s6;
	_ =	sdelay $0x1  }
0xa7: {  	s23 =	simm.s32 $0x1B8B  }
0xa8: {  	_ =	swait.ge [sflag:s23], $0x1  }
0xa9: {  	[sflag:s23] =	ssyncset.done $0x0  }
0xaa: {  	s25 =	simm.s32 $0x1B8E;
	s24 =	sld [smem:$0x3FFE];
	[sflag:s23] =	ssyncadd.s32 $0xFFFFFFFF  }
0xab: {  	s26 =	simm.s32 $execute0_lowered;
	[smem:$0x3FD2] =	sst s25  }
0xac: {  	s7 =	sshll.u32 s26, $0x1;
	_ =	strace $0x8000004C;
	[dreg:$0x1] =	wrdreg $0xFFFFFFFF  }
0xad: {  	s28 =	simm.s32 $_size_execute0_lowered;
	s5 =	sadd.s32 s5, s7;
	[dreg:$0x0] =	wrdreg $0x0  }
0xae: {  	s7 =	sshll.u32 s28, $0x1;
	[dreg:$0x2] =	wrdreg s5  }
0xaf: {  	[dreg:$0x3] =	wrdreg s7  }
0xb0: {  	[dreg:$0x4] =	wrdreg $0xC0  }
0xb1: {  	_ =	task [dreg:s9], $0x5FFFF  }
0xb2: {  	[dreg:$0x1] =	wrdreg $0xFFFFFFFF  }
0xb3: {  	[dreg:$0x0] =	wrdreg $0x60  }
0xb4: {  	[dreg:$0x2] =	wrdreg s17  }
0xb5: {  	[dreg:$0x3] =	wrdreg s16  }
0xb6: {  	[dreg:$0x4] =	wrdreg s18  }
0xb7: {  	[dreg:$0x5] =	wrdreg s24  }
0xb8: {  	[dreg:$0x6] =	wrdreg $0x41000  }
0xb9: {  	[dreg:$0x7] =	wrdreg $0x9  }
0xba: {  	_ =	task.clear_ibuf [dreg:s9], $0x8FFFF;
	_ =	strace $0x9000004C  }
0xbb: {  	s29 =	simm.s32 $0x9;
	_ =	strace $0x8000004E  }
0xbc: {  	_ =	swait.ge [sflag:s29], $0x1  }
0xbd: {  	[sflag:s29] =	ssyncadd.s32 $0xFFFFFFFF  }
0xbe: {  	_ =	strace $0x9000004E  }
0xbf: {  	_ =	sfence  }
0xc0: {  	s30 =	sld [smem:$0x0];
	_ =	sdelay $0x2  }
0xc1: {  	s31 =	sshll.u32 s1, $0xD;
	s1 =	sshrl.u32 s1, $0x2  }
0xc2: {  	s3 =	sand.u32 $0x4000, s31;
	s1 =	sadd.s32 s1, s30  }
0xc3: {  	s0 =	sor.u32 s3, s0;
	s1 =	sshll.u32 s1, $0x11  }
0xc4: {  	s0 =	sor.u32 s1, s0  }
0xc5: {  	s0 =	sadd.s32 $0x8F2B, s0  }
0xc6: {  	[sflag:s0] =	ssyncadd.remote.s32 $0x1  }
0xc7: {  	_ =	sfence.sel $0xFFFF  }
0xc8: {  	[dreg:$0x0] =	wrdreg $0xFFFFFFFF;
	(pc) =	sbr.abs _section_cstart, $3  }
0xc9: {  	[dreg:$0x1] =	wrdreg $0xFFFFFFFF  }
0xca: {  	_ =	task.clear_ibuf [dreg:s9], $0x2FFFF;
	_ =	strace $0x9FFFFFFF  }
0xcb: {  	(tm) =	ssettm $0x7FFFFFFF  }
tec
execute0_lowered:
.L_overlay_start_1:
0x0: {  	(tag) =	ssettag $0x1  }
0x1: {  	s1 =	rddreg [dreg:$0x0]  }
0x2: {  	s18 =	rddreg [dreg:$0x1]  }
0x3: {  	s16 =	rddreg [dreg:$0x2]  }
0x4: {  	s6 =	rddreg [dreg:$0x3]  }
0x5: {  	s3 =	rddreg [dreg:$0x4];
	s2 =	stileid.u32  }
0x6: {  	s0 =	rddreg [dreg:$0x5];
	s4 =	simm.s32 $0x0;
	s7 =	smul.u32 $0x50000, s2  }
0x7: {  	s5 =	srdreg.scid;
	s23 =	simm.s32 $0x0;
	s11 =	smul.u32 $0x14000, s2  }
0x8: {  	[smem:$0x7FF] =	sst s4;
	s14 =	sand.u32 $0x1, s5;
	s30 =	smul.u32 $0x9E0, s2  }
0x9: {  	s5 =	sadd.s32 $0x2600, s6;
	s15 =	sadd.s32 $0x2E00, s6;
	s21 =	smul.u32 $0x140000, s14  }
0xa: {  	_ =	strace $0x8000004D;
	s8 =	ssub.s32 $0x2, s14;
	s22 =	smul.u32 $0x4F0, s14  }
0xb: {  	s28 =	sshrl.u32 s8, $0x1;
	s29 =	sshrl.u32 s7, $0x2;
	s12 =	sadd.s32 $0x4000, s11  }
0xc: {  	s13 =	sadd.s32 $0x8000, s11;
	s19 =	sadd.s32 $0xC000, s11;
	s20 =	sadd.s32 $0x10000, s11  }
0xd: {  	s31 =	sadd.s32 s30, s16;
	s18 =	sadd.s32 s30, s18;
	s17 =	ssub.s32 s8, s28  }
0xe: {  	s6 =	sadd.s32 s29, s3;
	s7 =	sadd.s32 s12, s3;
	s8 =	sadd.s32 s13, s3  }
0xf: {  	s9 =	sadd.s32 s19, s3;
	s10 =	sadd.s32 s20, s3;
	s11 =	sadd.s32 s11, s21  }
0x10: {  	s12 =	sadd.s32 s21, s12;
	s13 =	sadd.s32 s21, s13;
	s19 =	sadd.s32 s21, s19  }
0x11: {  	s20 =	sadd.s32 s21, s20;
	s18 =	sadd.s32 s22, s18;
	s21 =	simm.s32 $0x80  }
0x12: {  	s11 =	sshrl.u32 s11, $0x3;
	s12 =	sshrl.u32 s12, $0x3;
	s13 =	sshrl.u32 s13, $0x3  }
0x13: {  	s19 =	sshrl.u32 s19, $0x3;
	s20 =	sshrl.u32 s20, $0x3;
	s16 =	smax.u32 s17, $0x1  }
0x14: {  	s17 =	sadd.s32 s22, s31;
	s22 =	simm.s32 $0x1;
	s11 =	sadd.s32 s15, s11  }
0x15: {  	s12 =	sadd.s32 s15, s12;
	s13 =	sadd.s32 s15, s13;
	s14 =	sadd.s32 s15, s19  }
0x16: {  	s15 =	sadd.s32 s15, s20;
	s19 =	simm.s32 $0x100;
	s20 =	simm.s32 $0x2  }
.LBB2_1:
0x17: {  	[tilespmem:s19], [sflag:$0x2] =	stream.linear.gather [hbm4b:s5+s4], $0x4000, $0x38;
	[tilespmem:$0x18100] =	vst v63  }
0x18: {  	_ =	swait.ge [sflag:s20], $0x4000  }
0x19: {  	[sflag:s20] =	ssyncset.done $0x0  }
0x1a: {  	[sflag:s20] =	ssyncadd.s32 $0xFFFFC000  }
0x1b: {  	[spmem:s6] =	stream.linear.scatter [tilespmem:s19], [sflag:$0x2], $0x4000, $0x38;
	[tilespmem:$0x18100] =	vst v63  }
0x1c: {  	_ =	swait.ge [sflag:s20], $0x4000  }
0x1d: {  	[sflag:s20] =	ssyncset.done $0x0  }
0x1e: {  	[sflag:s20] =	ssyncadd.s32 $0xFFFFC000  }
0x1f: {  	[spmem:s7] =	stream.linear.scatter [tilespmem:s19], [sflag:$0x2], $0x4000, $0x38;
	[tilespmem:$0x18100] =	vst v63  }
0x20: {  	_ =	swait.ge [sflag:s20], $0x4000  }
0x21: {  	[sflag:s20] =	ssyncset.done $0x0  }
0x22: {  	[sflag:s20] =	ssyncadd.s32 $0xFFFFC000  }
0x23: {  	[spmem:s8] =	stream.linear.scatter [tilespmem:s19], [sflag:$0x2], $0x4000, $0x38;
	[tilespmem:$0x18100] =	vst v63  }
0x24: {  	_ =	swait.ge [sflag:s20], $0x4000  }
0x25: {  	[sflag:s20] =	ssyncset.done $0x0  }
0x26: {  	[sflag:s20] =	ssyncadd.s32 $0xFFFFC000  }
0x27: {  	[spmem:s9] =	stream.linear.scatter [tilespmem:s19], [sflag:$0x2], $0x4000, $0x38;
	[tilespmem:$0x18100] =	vst v63  }
0x28: {  	_ =	swait.ge [sflag:s20], $0x4000  }
0x29: {  	[sflag:s20] =	ssyncset.done $0x0  }
0x2a: {  	[sflag:s20] =	ssyncadd.s32 $0xFFFFC000  }
0x2b: {  	[spmem:s10] =	stream.linear.scatter [tilespmem:s19], [sflag:$0x2], $0x4000, $0x38;
	[tilespmem:$0x18100] =	vst v63  }
0x2c: {  	_ =	swait.ge [sflag:s20], $0x4000  }
0x2d: {  	[sflag:s20] =	ssyncset.done $0x0  }
0x2e: {  	[sflag:s20] =	ssyncadd.s32 $0xFFFFC000  }
0x2f: {  	s24 =	sadd.s32 $0x0, s18;
	[bflag:$0x0] =	sbarrier.arrive $0xFFFF  }
0x30: {  	[tilespmem:s4], [sflag:$0x2] =	stream.linear.gather [hbm4b:s24+s4], $0x80, $0x38;
	[tilespmem:$0x18100] =	vst v63  }
0x31: {  	_ =	swait.ge [sflag:s20], $0x80  }
0x32: {  	[sflag:s20] =	ssyncset.done $0x0  }
0x33: {  	s31 =	sadd.s32 $0x0, s17;
	[sflag:s20] =	ssyncadd.s32 $0xFFFFFF80  }
0x34: {  	[tilespmem:s21], [sflag:$0x2] =	stream.linear.gather [hbm4b:s31+s4], $0x80, $0x38;
	[tilespmem:$0x18100] =	vst v63  }
0x35: {  	_ =	swait.ge [sflag:s20], $0x80  }
0x36: {  	[sflag:s20] =	ssyncset.done $0x0  }
0x37: {  	[sflag:s20] =	ssyncadd.s32 $0xFFFFFF80  }
0x38: {  	[tilespmem:s19], [sflag:$0x1] =	stream.indirect.gather [hbm4b:s1+s21], $0x80, s4, s21, $0xb8;
	[tilespmem:$0x18100] =	vst v63  }
0x39: {  	_ =	swait.ge [sflag:s22], $0x4000  }
0x3a: {  	[sflag:s22] =	ssyncset.done $0x0  }
0x3b: {  	[sflag:s22] =	ssyncadd.s32 $0xFFFFC000  }
0x3c: {  	[spmem:s3] =	stream.indirect.scatter.add.f32 [tilespmem:s19], [sflag:$0x2], $0x80, s21, s21, $0xb8;
	[tilespmem:$0x18100] =	vst v63  }
0x3d: {  	_ =	swait.ge [sflag:s20], $0x4000  }
0x3e: {  	s25 =	simm.s32 $0x20;
	s24 =	simm.s32 $0x10;
	[sflag:s20] =	ssyncset.done $0x0  }
.LBB2_2:
0x3f: {  	s26 =	sadd.s32 s24, s18  }
0x40: {  	[sflag:s20] =	ssyncadd.s32 $0xFFFFC000;
	s28 =	smov.u32 s25;
	s29 =	sadd.s32 $0x10, s25  }
0x41: {  	[tilespmem:s4], [sflag:$0x2] =	stream.linear.gather [hbm4b:s26+s4], $0x80, $0x38;
	[tilespmem:$0x18100] =	vst v63  }
0x42: {  	p0 =	sne.s32 s25, $0x4E0;
	_ =	swait.ge [sflag:s20], $0x80  }
0x43: {  	[sflag:s20] =	ssyncset.done $0x0  }
0x44: {  	s25 =	sadd.s32 s24, s17;
	s24 =	smov.u32 s28;
	[sflag:s20] =	ssyncadd.s32 $0xFFFFFF80  }
0x45: {  	[tilespmem:s21], [sflag:$0x2] =	stream.linear.gather [hbm4b:s25+s4], $0x80, $0x38;
	[tilespmem:$0x18100] =	vst v63  }
0x46: {  	_ =	swait.ge [sflag:s20], $0x80  }
0x47: {  	[sflag:s20] =	ssyncset.done $0x0  }
0x48: {  	[sflag:s20] =	ssyncadd.s32 $0xFFFFFF80  }
0x49: {  	[tilespmem:s19], [sflag:$0x1] =	stream.indirect.gather [hbm4b:s1+s21], $0x80, s4, s21, $0xb8;
	[tilespmem:$0x18100] =	vst v63  }
0x4a: {  	_ =	swait.ge [sflag:s22], $0x4000  }
.Ltmp0:
0x4b: {  	[sflag:s22] =	ssyncset.done $0x0;
	(pc) =	sbr.rel @p0 .LBB2_2-.Ltmp0, $4  }
0x4c: {  	[sflag:s22] =	ssyncadd.s32 $0xFFFFC000  }
0x4d: {  	[spmem:s3] =	stream.indirect.scatter.add.f32 [tilespmem:s19], [sflag:$0x2], $0x80, s21, s21, $0xb8;
	[tilespmem:$0x18100] =	vst v63  }
0x4e: {  	_ =	swait.ge [sflag:s20], $0x4000  }
0x4f: {  	s25 =	smov.u32 s29;
	[sflag:s20] =	ssyncset.done $0x0  }
0x50: {  	s25 =	sadd.s32 s24, s18;
	[sflag:s20] =	ssyncadd.s32 $0xFFFFC000  }
0x51: {  	[tilespmem:s4], [sflag:$0x2] =	stream.linear.gather [hbm4b:s25+s4], $0x80, $0x38;
	[tilespmem:$0x18100] =	vst v63  }
0x52: {  	_ =	swait.ge [sflag:s20], $0x80  }
0x53: {  	[sflag:s20] =	ssyncset.done $0x0  }
0x54: {  	s31 =	sadd.s32 s24, s17;
	[sflag:s20] =	ssyncadd.s32 $0xFFFFFF80  }
0x55: {  	[tilespmem:s21], [sflag:$0x2] =	stream.linear.gather [hbm4b:s31+s4], $0x80, $0x38;
	[tilespmem:$0x18100] =	vst v63  }
0x56: {  	_ =	swait.ge [sflag:s20], $0x80  }
0x57: {  	[sflag:s20] =	ssyncset.done $0x0  }
0x58: {  	[sflag:s20] =	ssyncadd.s32 $0xFFFFFF80  }
0x59: {  	[tilespmem:s19], [sflag:$0x1] =	stream.indirect.gather [hbm4b:s1+s21], $0x80, s4, s21, $0xb8;
	[tilespmem:$0x18100] =	vst v63  }
0x5a: {  	_ =	swait.ge [sflag:s22], $0x4000  }
0x5b: {  	[sflag:s22] =	ssyncset.done $0x0  }
0x5c: {  	[sflag:s22] =	ssyncadd.s32 $0xFFFFC000  }
0x5d: {  	[spmem:s3] =	stream.indirect.scatter.add.f32 [tilespmem:s19], [sflag:$0x2], $0x80, s21, s21, $0xb8;
	[tilespmem:$0x18100] =	vst v63  }
0x5e: {  	_ =	swait.ge [sflag:s20], $0x4000  }
0x5f: {  	[sflag:s20] =	ssyncset.done $0x0  }
0x60: {  	[sflag:s20] =	ssyncadd.s32 $0xFFFFC000  }
0x61: {  	[bflag:$0x0] =	sbarrier.arrive $0xFFFF  }
0x62: {  	[tilespmem:s19], [sflag:$0x2] =	stream.linear.gather [spmem:s6], $0x4000, $0x38;
	[tilespmem:$0x18100] =	vst v63  }
0x63: {  	_ =	swait.ge [sflag:s20], $0x4000  }
0x64: {  	[sflag:s20] =	ssyncset.done $0x0  }
0x65: {  	[sflag:s20] =	ssyncadd.s32 $0xFFFFC000  }
0x66: {  	[hbm4b:s11+s4] =	stream.linear.scatter [tilespmem:s19], [sflag:$0x2], $0x4000, $0x38;
	[tilespmem:$0x18100] =	vst v63  }
0x67: {  	_ =	swait.ge [sflag:s20], $0x4000  }
0x68: {  	[sflag:s20] =	ssyncset.done $0x0  }
0x69: {  	[sflag:s20] =	ssyncadd.s32 $0xFFFFC000  }
0x6a: {  	[tilespmem:s19], [sflag:$0x2] =	stream.linear.gather [spmem:s7], $0x4000, $0x38;
	[tilespmem:$0x18100] =	vst v63  }
0x6b: {  	_ =	swait.ge [sflag:s20], $0x4000  }
0x6c: {  	[sflag:s20] =	ssyncset.done $0x0  }
0x6d: {  	[sflag:s20] =	ssyncadd.s32 $0xFFFFC000  }
0x6e: {  	[hbm4b:s12+s4] =	stream.linear.scatter [tilespmem:s19], [sflag:$0x2], $0x4000, $0x38;
	[tilespmem:$0x18100] =	vst v63  }
0x6f: {  	_ =	swait.ge [sflag:s20], $0x4000  }
0x70: {  	[sflag:s20] =	ssyncset.done $0x0  }
0x71: {  	[sflag:s20] =	ssyncadd.s32 $0xFFFFC000  }
0x72: {  	[tilespmem:s19], [sflag:$0x2] =	stream.linear.gather [spmem:s8], $0x4000, $0x38;
	[tilespmem:$0x18100] =	vst v63  }
0x73: {  	_ =	swait.ge [sflag:s20], $0x4000  }
0x74: {  	[sflag:s20] =	ssyncset.done $0x0  }
0x75: {  	[sflag:s20] =	ssyncadd.s32 $0xFFFFC000  }
0x76: {  	[hbm4b:s13+s4] =	stream.linear.scatter [tilespmem:s19], [sflag:$0x2], $0x4000, $0x38;
	[tilespmem:$0x18100] =	vst v63  }
0x77: {  	_ =	swait.ge [sflag:s20], $0x4000  }
0x78: {  	[sflag:s20] =	ssyncset.done $0x0  }
0x79: {  	[sflag:s20] =	ssyncadd.s32 $0xFFFFC000  }
0x7a: {  	[tilespmem:s19], [sflag:$0x2] =	stream.linear.gather [spmem:s9], $0x4000, $0x38;
	[tilespmem:$0x18100] =	vst v63  }
0x7b: {  	_ =	swait.ge [sflag:s20], $0x4000  }
0x7c: {  	[sflag:s20] =	ssyncset.done $0x0  }
0x7d: {  	[sflag:s20] =	ssyncadd.s32 $0xFFFFC000  }
0x7e: {  	[hbm4b:s14+s4] =	stream.linear.scatter [tilespmem:s19], [sflag:$0x2], $0x4000, $0x38;
	[tilespmem:$0x18100] =	vst v63  }
0x7f: {  	_ =	swait.ge [sflag:s20], $0x4000  }
0x80: {  	[sflag:s20] =	ssyncset.done $0x0  }
0x81: {  	[sflag:s20] =	ssyncadd.s32 $0xFFFFC000  }
0x82: {  	[tilespmem:s19], [sflag:$0x2] =	stream.linear.gather [spmem:s10], $0x4000, $0x38;
	[tilespmem:$0x18100] =	vst v63  }
0x83: {  	s23 =	sadd.s32 $0x1, s23;
	_ =	swait.ge [sflag:s20], $0x4000  }
0x84: {  	p0 =	sne.s32 s23, s16;
	[sflag:s20] =	ssyncset.done $0x0  }
.Ltmp1:
0x85: {  	[sflag:s20] =	ssyncadd.s32 $0xFFFFC000;
	(pc) =	sbr.rel @p0 .LBB2_1-.Ltmp1, $4  }
0x86: {  	[hbm4b:s15+s4] =	stream.linear.scatter [tilespmem:s19], [sflag:$0x2], $0x4000, $0x38;
	[tilespmem:$0x18100] =	vst v63  }
0x87: {  	_ =	swait.ge [sflag:s20], $0x4000  }
0x88: {  	[sflag:s20] =	ssyncset.done $0x0  }
0x89: {  	[sflag:s20] =	ssyncadd.s32 $0xFFFFC000  }
0x8a: {  	_ =	sfence.sel $0x180000  }
0x8b: {  	[bflag:$0x0] =	sbarrier.arrive $0xFFFF  }
0x8c: {  	p0 =	sne.s32 s2, $0x0;
	_ =	strace $0x9000004D  }
0x8d: {  	s0 =	sadd.s32 @!p0 $0x100000, s0;
	[bflag:$0x2] =	sbarrier.arrive $0xFFFF  }
0x8e: {  	[sflag:s0] =	ssyncadd.tile.s32 @!p0 $0x1;
	_ =	shalt  }
.Lfunc_end2:
_tile_overlayer_lowered:
.L_overlay_start_2:
0x8f: {  	(tag) =	ssettag $0x2  }
0x90: {  	s0 =	rddreg [dreg:$0x0];
	s2 =	stileid.u32  }
0x91: {  	s1 =	rddreg [dreg:$0x1];
	p0 =	sne.s32 s2, $0x0  }
0x92: {  	s3 =	rddreg [dreg:$0x2];
	[bflag:$0x3] =	sbarrier.arrive $0xFFFF;
	s2 =	simm.s32 @!p0 $0x1C02  }
0x93: {  	[timem:s3], [sflag:s2] =	dma.local @!p0 [hbm:s0], s1  }
0x94: {  	s0 =	simm.s32 @!p0 $0x2  }
0x95: {  	_ =	swait.ge @!p0 [sflag:s0], s1  }
0x96: {  	s1 =	ssub.s32 @!p0 $0x0, s1;
	[sflag:s0] =	ssyncset.done @!p0 $0x0  }
0x97: {  	[sflag:s0] =	ssyncadd.s32 @!p0 s1  }
0x98: {  	[bflag:$0x3] =	sbarrier.arrive $0xFFFF  }
0x99: {  	_ =	shalt  }

// kernel: kernel.7.cloned.1.call-start
scs
__scs_entry_jumppad:
0x0: {  	(pc) =	sbr.rel $0x88, $3  }
0x1: {  	(tag) =	ssettag $0x0;
	lr =	simm.s32 $0x1  }
0x2: {  	[smem:$0x3F97] =	sst lr;
	_ =	strace $0xD0000000  }
0x3: {  	_ = 	snop  }
0x4: {  	_ = 	snop  }
0x5: {  	_ = 	snop  }
0x6: {  	_ = 	snop  }
0x7: {  	_ = 	snop  }
__scs_overlays_trampoline_lowered:
0x8: {  	[smem:$0x3FA6] =	sst s0  }
0x9: {  	[smem:$0x3FA7] =	sst s1  }
0xa: {  	[smem:$0x3FA8] =	sst s2  }
0xb: {  	[smem:$0x3FA9] =	sst s3  }
0xc: {  	[smem:$0x3FAA] =	sst s4  }
0xd: {  	[smem:$0x3FAB] =	sst s5  }
0xe: {  	[smem:$0x3FAC] =	sst s6  }
0xf: {  	[smem:$0x3FAD] =	sst s7  }
0x10: {  	[smem:$0x3FAE] =	sst s8  }
0x11: {  	[smem:$0x3FAF] =	sst s9;
	s0 =	simm.s32 @!p0 $0x0  }
0x12: {  	s1 =	sld [smem:$0x3F95];
	s0 =	simm.s32 @p0 $0x1  }
0x13: {  	[smem:$0x3FB0] =	sst s0;
	s0 =	simm.s32 @!p1 $0x0  }
0x14: {  	s2 =	sld [smem:$0x3F94];
	s0 =	simm.s32 @p1 $0x1  }
0x15: {  	[smem:$0x3FB1] =	sst s0;
	s0 =	simm.s32 @!p2 $0x0  }
0x16: {  	s3 =	sld [smem:$0x3FDB];
	s0 =	simm.s32 @p2 $0x1  }
0x17: {  	s4 =	simm.s32 $0x1BF5;
	[smem:$0x3FB3] =	sst s0  }
0x18: {  	s0 =	sld [smem:$0x3F96];
	_ =	swait.ge [sflag:s4], $0x0  }
0x19: {  	s7 =	sld [smem:$0x3F97]  }
0x1a: {  	s8 =	sadd.s32 $0xFFFFE003, lr  }
0x1b: {  	s9 =	sadd.s32 $0xFFFFFEF7, lr;
	s5 =	simm.s32 $0xFFFFFFFF;
	p2 =	slt.u32 s8, $0xFFFFF086  }
0x1c: {  	p1 =	slt.u32 s9, $0xF7A;
	s5 =	simm.s32 @!p2 $0x0  }
0x1d: {  	s5 =	simm.s32 @p1 $0x1;
	p0 =	seq.s32 s7, s2  }
0x1e: {  	s7 =	smul.u32 @!p0 $0xF7A, s2;
	p2 =	seq.s32 @!p0 s5, $0x0  }
0x1f: {  	s9 =	smul.u32 $0xF7A, s1;
	s8 =	simm.s32 @!p0 $0x1BF5;
	p2 =	por !p2, p0  }
0x20: {  	[sflag:s8] =	ssyncset.s32 @!p0 $0xFFFFF086;
	s6 =	sadd.s32 @!p0 s3, s7;
	s7 =	simm.s32 @!p0 $0x108  }
0x21: {  	s3 =	sadd.s32 s3, s9;
	s6 =	sadd.s32 @!p0 $0x88, s6;
	s7 =	simm.s32 @p2 $0x1082  }
0x22: {  	[simem:s7], [sflag:s8] =	dma.local @!p0 [hbm:s6], $0xF7A  }
0x23: {  	s9 =	sor.u32 $0xD0000000, s2;
	s6 =	simm.s32 $0x108;
	_ =	swait.ge @!p0 [sflag:s8], $0x0  }
0x24: {  	s3 =	sadd.s32 $0x88, s3;
	s6 =	simm.s32 @!p1 $0x1082;
	[sflag:s4] =	ssyncset.s32 $0xFFFFF086  }
0x25: {  	[simem:s6], [sflag:s4] =	dma.local [hbm:s3], $0xF7A  }
0x26: {  	[smem:$0x3F97] =	sst s1;
	(tag) =	ssettag s2;
	_ =	strace s9  }
0x27: {  	s1 =	sld [smem:$0x3FA7]  }
0x28: {  	s2 =	sld [smem:$0x3FA8]  }
0x29: {  	s4 =	sld [smem:$0x3FAA]  }
0x2a: {  	p0 =	seq.s32 s5, $0x0;
	s5 =	sld [smem:$0x3FAB]  }
0x2b: {  	s6 =	sld [smem:$0x3FAC]  }
0x2c: {  	s7 =	sld [smem:$0x3FAD]  }
0x2d: {  	s3 =	simm.s32 $0x108;
	s8 =	sld [smem:$0x3FAE]  }
0x2e: {  	s3 =	simm.s32 @!p0 $0x1082;
	s9 =	sld [smem:$0x3FAF]  }
0x2f: {  	lr =	sadd.s32 s0, s3;
	s0 =	sld [smem:$0x3FA6]  }
0x30: {  	s3 =	sld [smem:$0x3FA9]  }
0x31: {  	[smem:$0x3FB2] =	sst s10  }
0x32: {  	s10 =	sld [smem:$0x3FB0];
	_ =	sdelay $0x3  }
0x33: {  	p0 =	seq.s32 s10, $0x1;
	s10 =	sld [smem:$0x3FB2];
	_ =	sdelay $0x3  }
0x34: {  	[smem:$0x3FB2] =	sst s10  }
0x35: {  	s10 =	sld [smem:$0x3FB1];
	_ =	sdelay $0x3  }
0x36: {  	p1 =	seq.s32 s10, $0x1;
	s10 =	sld [smem:$0x3FB2];
	_ =	sdelay $0x3  }
0x37: {  	[smem:$0x3FB2] =	sst s10  }
0x38: {  	s10 =	sld [smem:$0x3FB3]  }
0x39: {  	_ = 	snop;
	(pc) =	sbr.ind lr, $3  }
0x3a: {  	_ = 	snop  }
0x3b: {  	_ = 	snop  }
0x3c: {  	p2 =	seq.s32 s10, $0x1;
	s10 =	sld [smem:$0x3FB2]  }
0x3d: {  	_ =	shalt  }
0x3e: {  	_ =	shalt  }
0x3f: {  	_ =	shalt  }
0x40: {  	_ =	shalt  }
0x41: {  	_ =	shalt  }
0x42: {  	_ =	shalt  }
0x43: {  	_ =	shalt  }
0x44: {  	_ =	shalt  }
0x45: {  	_ =	shalt  }
0x46: {  	_ =	shalt  }
0x47: {  	_ =	shalt  }
0x48: {  	_ =	shalt  }
0x49: {  	_ =	shalt  }
0x4a: {  	_ =	shalt  }
0x4b: {  	_ =	shalt  }
0x4c: {  	_ =	shalt  }
0x4d: {  	_ =	shalt  }
0x4e: {  	_ =	shalt  }
0x4f: {  	_ =	shalt  }
0x50: {  	_ =	shalt  }
0x51: {  	_ =	shalt  }
0x52: {  	_ =	shalt  }
0x53: {  	_ =	shalt  }
0x54: {  	_ =	shalt  }
0x55: {  	_ =	shalt  }
0x56: {  	_ =	shalt  }
0x57: {  	_ =	shalt  }
0x58: {  	_ =	shalt  }
0x59: {  	_ =	shalt  }
0x5a: {  	_ =	shalt  }
0x5b: {  	_ =	shalt  }
0x5c: {  	_ =	shalt  }
0x5d: {  	_ =	shalt  }
0x5e: {  	_ =	shalt  }
0x5f: {  	_ =	shalt  }
0x60: {  	_ =	shalt  }
0x61: {  	_ =	shalt  }
0x62: {  	_ =	shalt  }
0x63: {  	_ =	shalt  }
0x64: {  	_ =	shalt  }
0x65: {  	_ =	shalt  }
0x66: {  	_ =	shalt  }
0x67: {  	_ =	shalt  }
0x68: {  	_ =	shalt  }
0x69: {  	_ =	shalt  }
0x6a: {  	_ =	shalt  }
0x6b: {  	_ =	shalt  }
0x6c: {  	_ =	shalt  }
0x6d: {  	_ =	shalt  }
0x6e: {  	_ =	shalt  }
0x6f: {  	_ =	shalt  }
0x70: {  	_ =	shalt  }
0x71: {  	_ =	shalt  }
0x72: {  	_ =	shalt  }
0x73: {  	_ =	shalt  }
0x74: {  	_ =	shalt  }
0x75: {  	_ =	shalt  }
0x76: {  	_ =	shalt  }
0x77: {  	_ =	shalt  }
0x78: {  	_ =	shalt  }
0x79: {  	_ =	shalt  }
0x7a: {  	_ =	shalt  }
0x7b: {  	_ =	shalt  }
0x7c: {  	_ =	shalt  }
0x7d: {  	_ =	shalt  }
0x7e: {  	_ =	shalt  }
0x7f: {  	_ =	shalt  }
0x80: {  	_ =	shalt  }
0x81: {  	_ =	shalt  }
0x82: {  	_ =	shalt  }
0x83: {  	_ =	shalt  }
0x84: {  	_ =	shalt  }
0x85: {  	_ =	shalt  }
0x86: {  	_ =	shalt  }
0x87: {  	_ =	shalt  }
.Lfunc_end0:
.L_simem_size_0:
called_computation_lowered:
.L_overlay_start_0:
0x88: {  	s2 =	sld [smem:$0x3FD9]  }
0x89: {  	s3 =	sld [smem:$0x3FFE];
	_ =	sdelay $0x1  }
0x8a: {  	s1 =	srdreg.scid  }
0x8b: {  	s0 =	sand.u32 $0x1, s1  }
0x8c: {  	s14 =	sshll.u32 s0, $0xA;
	s2 =	sadd.s32 s3, s2  }
0x8d: {  	s2 =	sadd.s32 s2, s14  }
0x8e: {  	[smem:$0x3FBE] =	sst s2  }
0x8f: {  	_ = 	snop  }
0x90: {  	s2 =	sld [smem:$0x3FD0];
	_ =	sdelay $0x2  }
0x91: {  	s4 =	simm.s32 $0xB;
	s5 =	simm.s32 $0x10;
	s15 =	sld [smem:$0x3FC9]  }
0x92: {  	[smem:s5], [sflag:s4] =	dma.local [hbm:s2], $0x1  }
0x93: {  	_ =	swait.eq [sflag:s4], $0x1  }
0x94: {  	[sflag:s4] =	ssyncset.done $0x0  }
0x95: {  	s16 =	sld [smem:$0x10];
	[sflag:s4] =	ssyncadd.s32 $0xFFFFFFFF  }
0x96: {  	s17 =	sld [smem:$0x12];
	(tm) =	ssettm $0x1  }
0x97: {  	s18 =	sld [smem:$0x3FFB];
	_ =	sdelay $0x3  }
0x98: {  	_ =	strace s18  }
0x99: {  	s5 =	sld [smem:$0x3FFC];
	_ =	sdelay $0x3  }
0x9a: {  	_ =	strace s5  }
0x9b: {  	s5 =	sld [smem:$0x3FFD];
	_ =	sdelay $0x3  }
0x9c: {  	_ =	strace s5  }
0x9d: {  	_ =	strace $0x8FFFFFFF  }
0x9e: {  	s19 =	sld [smem:$0x3FDB];
	_ =	sdelay $0x1  }
0x9f: {  	s6 =	simm.s32 $_scs_section_size  }
0xa0: {  	s7 =	simm.s32 $_size__tile_overlayer_lowered;
	s8 =	simm.s32 $_tile_overlayer_lowered  }
0xa1: {  	s22 =	simm.s32 $0x1BFF;
	s21 =	sshll.u32 s8, $0x1;
	s5 =	sadd.s32 s6, s19  }
0xa2: {  	s9 =	simm.s32 $0x0;
	s20 =	sshll.u32 s7, $0x1;
	s7 =	sadd.s32 s21, s5  }
0xa3: {  	[timem:s9], [sflag:s22] =	dma.local [hbm:s7], s20  }
0xa4: {  	_ =	swait.ge [sflag:s22], s20  }
0xa5: {  	s6 =	ssub.s32 $0x0, s20;
	[sflag:s22] =	ssyncset.done $0x0  }
0xa6: {  	[sflag:s22] =	ssyncadd.s32 s6;
	_ =	sdelay $0x1  }
0xa7: {  	s23 =	simm.s32 $0x1B8B  }
0xa8: {  	_ =	swait.ge [sflag:s23], $0x1  }
0xa9: {  	[sflag:s23] =	ssyncset.done $0x0  }
0xaa: {  	s25 =	simm.s32 $0x1B8E;
	s24 =	sld [smem:$0x3FFE];
	[sflag:s23] =	ssyncadd.s32 $0xFFFFFFFF  }
0xab: {  	s26 =	simm.s32 $execute0_lowered;
	[smem:$0x3FD2] =	sst s25  }
0xac: {  	s7 =	sshll.u32 s26, $0x1;
	_ =	strace $0x80000046;
	[dreg:$0x1] =	wrdreg $0xFFFFFFFF  }
0xad: {  	s28 =	simm.s32 $_size_execute0_lowered;
	s5 =	sadd.s32 s5, s7;
	[dreg:$0x0] =	wrdreg $0x0  }
0xae: {  	s7 =	sshll.u32 s28, $0x1;
	[dreg:$0x2] =	wrdreg s5  }
0xaf: {  	[dreg:$0x3] =	wrdreg s7  }
0xb0: {  	[dreg:$0x4] =	wrdreg $0xC0  }
0xb1: {  	_ =	task [dreg:s9], $0x5FFFF  }
0xb2: {  	[dreg:$0x1] =	wrdreg $0xFFFFFFFF  }
0xb3: {  	[dreg:$0x0] =	wrdreg $0x60  }
0xb4: {  	[dreg:$0x2] =	wrdreg s15  }
0xb5: {  	[dreg:$0x3] =	wrdreg s16  }
0xb6: {  	[dreg:$0x4] =	wrdreg s17  }
0xb7: {  	[dreg:$0x5] =	wrdreg s24  }
0xb8: {  	[dreg:$0x6] =	wrdreg $0x41000  }
0xb9: {  	[dreg:$0x7] =	wrdreg $0x9  }
0xba: {  	_ =	task.clear_ibuf [dreg:s9], $0x8FFFF;
	_ =	strace $0x90000046  }
0xbb: {  	s29 =	simm.s32 $0x9;
	_ =	strace $0x80000048  }
0xbc: {  	_ =	swait.ge [sflag:s29], $0x1  }
0xbd: {  	[sflag:s29] =	ssyncadd.s32 $0xFFFFFFFF  }
0xbe: {  	_ =	strace $0x90000048  }
0xbf: {  	_ =	sfence  }
0xc0: {  	s30 =	sld [smem:$0x0];
	_ =	sdelay $0x2  }
0xc1: {  	s31 =	sshll.u32 s1, $0xD;
	s1 =	sshrl.u32 s1, $0x2  }
0xc2: {  	s3 =	sand.u32 $0x4000, s31;
	s1 =	sadd.s32 s1, s30  }
0xc3: {  	s0 =	sor.u32 s3, s0;
	s1 =	sshll.u32 s1, $0x11  }
0xc4: {  	s0 =	sor.u32 s1, s0  }
0xc5: {  	s0 =	sadd.s32 $0x8F2B, s0  }
0xc6: {  	[sflag:s0] =	ssyncadd.remote.s32 $0x1  }
0xc7: {  	_ =	sfence.sel $0xFFFF  }
0xc8: {  	[dreg:$0x0] =	wrdreg $0xFFFFFFFF;
	(pc) =	sbr.abs _section_cstart, $3  }
0xc9: {  	[dreg:$0x1] =	wrdreg $0xFFFFFFFF  }
0xca: {  	_ =	task.clear_ibuf [dreg:s9], $0x2FFFF;
	_ =	strace $0x9FFFFFFF  }
0xcb: {  	(tm) =	ssettm $0x7FFFFFFF  }
tec
execute0_lowered:
.L_overlay_start_1:
0x0: {  	(tag) =	ssettag $0x1  }
0x1: {  	s1 =	rddreg [dreg:$0x0]  }
0x2: {  	s18 =	rddreg [dreg:$0x1]  }
0x3: {  	s16 =	rddreg [dreg:$0x2]  }
0x4: {  	s6 =	rddreg [dreg:$0x3]  }
0x5: {  	s3 =	rddreg [dreg:$0x4];
	s2 =	stileid.u32  }
0x6: {  	s0 =	rddreg [dreg:$0x5];
	s4 =	simm.s32 $0x0;
	s7 =	smul.u32 $0x50000, s2  }
0x7: {  	s5 =	srdreg.scid;
	s23 =	simm.s32 $0x0;
	s11 =	smul.u32 $0x14000, s2  }
0x8: {  	[smem:$0x7FF] =	sst s4;
	s14 =	sand.u32 $0x1, s5;
	s30 =	smul.u32 $0x9E0, s2  }
0x9: {  	s5 =	sadd.s32 $0x2600, s6;
	s15 =	sadd.s32 $0x2E00, s6;
	s21 =	smul.u32 $0x140000, s14  }
0xa: {  	_ =	strace $0x80000047;
	s8 =	ssub.s32 $0x2, s14;
	s22 =	smul.u32 $0x4F0, s14  }
0xb: {  	s28 =	sshrl.u32 s8, $0x1;
	s29 =	sshrl.u32 s7, $0x2;
	s12 =	sadd.s32 $0x4000, s11  }
0xc: {  	s13 =	sadd.s32 $0x8000, s11;
	s19 =	sadd.s32 $0xC000, s11;
	s20 =	sadd.s32 $0x10000, s11  }
0xd: {  	s31 =	sadd.s32 s30, s16;
	s18 =	sadd.s32 s30, s18;
	s17 =	ssub.s32 s8, s28  }
0xe: {  	s6 =	sadd.s32 s29, s3;
	s7 =	sadd.s32 s12, s3;
	s8 =	sadd.s32 s13, s3  }
0xf: {  	s9 =	sadd.s32 s19, s3;
	s10 =	sadd.s32 s20, s3;
	s11 =	sadd.s32 s11, s21  }
0x10: {  	s12 =	sadd.s32 s21, s12;
	s13 =	sadd.s32 s21, s13;
	s19 =	sadd.s32 s21, s19  }
0x11: {  	s20 =	sadd.s32 s21, s20;
	s18 =	sadd.s32 s22, s18;
	s21 =	simm.s32 $0x80  }
0x12: {  	s11 =	sshrl.u32 s11, $0x3;
	s12 =	sshrl.u32 s12, $0x3;
	s13 =	sshrl.u32 s13, $0x3  }
0x13: {  	s19 =	sshrl.u32 s19, $0x3;
	s20 =	sshrl.u32 s20, $0x3;
	s16 =	smax.u32 s17, $0x1  }
0x14: {  	s17 =	sadd.s32 s22, s31;
	s22 =	simm.s32 $0x1;
	s11 =	sadd.s32 s15, s11  }
0x15: {  	s12 =	sadd.s32 s15, s12;
	s13 =	sadd.s32 s15, s13;
	s14 =	sadd.s32 s15, s19  }
0x16: {  	s15 =	sadd.s32 s15, s20;
	s19 =	simm.s32 $0x100;
	s20 =	simm.s32 $0x2  }
.LBB2_1:
0x17: {  	[tilespmem:s19], [sflag:$0x2] =	stream.linear.gather [hbm4b:s5+s4], $0x4000, $0x38;
	[tilespmem:$0x18100] =	vst v63  }
0x18: {  	_ =	swait.ge [sflag:s20], $0x4000  }
0x19: {  	[sflag:s20] =	ssyncset.done $0x0  }
0x1a: {  	[sflag:s20] =	ssyncadd.s32 $0xFFFFC000  }
0x1b: {  	[spmem:s6] =	stream.linear.scatter [tilespmem:s19], [sflag:$0x2], $0x4000, $0x38;
	[tilespmem:$0x18100] =	vst v63  }
0x1c: {  	_ =	swait.ge [sflag:s20], $0x4000  }
0x1d: {  	[sflag:s20] =	ssyncset.done $0x0  }
0x1e: {  	[sflag:s20] =	ssyncadd.s32 $0xFFFFC000  }
0x1f: {  	[spmem:s7] =	stream.linear.scatter [tilespmem:s19], [sflag:$0x2], $0x4000, $0x38;
	[tilespmem:$0x18100] =	vst v63  }
0x20: {  	_ =	swait.ge [sflag:s20], $0x4000  }
0x21: {  	[sflag:s20] =	ssyncset.done $0x0  }
0x22: {  	[sflag:s20] =	ssyncadd.s32 $0xFFFFC000  }
0x23: {  	[spmem:s8] =	stream.linear.scatter [tilespmem:s19], [sflag:$0x2], $0x4000, $0x38;
	[tilespmem:$0x18100] =	vst v63  }
0x24: {  	_ =	swait.ge [sflag:s20], $0x4000  }
0x25: {  	[sflag:s20] =	ssyncset.done $0x0  }
0x26: {  	[sflag:s20] =	ssyncadd.s32 $0xFFFFC000  }
0x27: {  	[spmem:s9] =	stream.linear.scatter [tilespmem:s19], [sflag:$0x2], $0x4000, $0x38;
	[tilespmem:$0x18100] =	vst v63  }
0x28: {  	_ =	swait.ge [sflag:s20], $0x4000  }
0x29: {  	[sflag:s20] =	ssyncset.done $0x0  }
0x2a: {  	[sflag:s20] =	ssyncadd.s32 $0xFFFFC000  }
0x2b: {  	[spmem:s10] =	stream.linear.scatter [tilespmem:s19], [sflag:$0x2], $0x4000, $0x38;
	[tilespmem:$0x18100] =	vst v63  }
0x2c: {  	_ =	swait.ge [sflag:s20], $0x4000  }
0x2d: {  	[sflag:s20] =	ssyncset.done $0x0  }
0x2e: {  	[sflag:s20] =	ssyncadd.s32 $0xFFFFC000  }
0x2f: {  	s24 =	sadd.s32 $0x0, s18;
	[bflag:$0x0] =	sbarrier.arrive $0xFFFF  }
0x30: {  	[tilespmem:s4], [sflag:$0x2] =	stream.linear.gather [hbm4b:s24+s4], $0x80, $0x38;
	[tilespmem:$0x18100] =	vst v63  }
0x31: {  	_ =	swait.ge [sflag:s20], $0x80  }
0x32: {  	[sflag:s20] =	ssyncset.done $0x0  }
0x33: {  	s31 =	sadd.s32 $0x0, s17;
	[sflag:s20] =	ssyncadd.s32 $0xFFFFFF80  }
0x34: {  	[tilespmem:s21], [sflag:$0x2] =	stream.linear.gather [hbm4b:s31+s4], $0x80, $0x38;
	[tilespmem:$0x18100] =	vst v63  }
0x35: {  	_ =	swait.ge [sflag:s20], $0x80  }
0x36: {  	[sflag:s20] =	ssyncset.done $0x0  }
0x37: {  	[sflag:s20] =	ssyncadd.s32 $0xFFFFFF80  }
0x38: {  	[tilespmem:s19], [sflag:$0x1] =	stream.indirect.gather [hbm4b:s1+s21], $0x80, s4, s21, $0xb8;
	[tilespmem:$0x18100] =	vst v63  }
0x39: {  	_ =	swait.ge [sflag:s22], $0x4000  }
0x3a: {  	[sflag:s22] =	ssyncset.done $0x0  }
0x3b: {  	[sflag:s22] =	ssyncadd.s32 $0xFFFFC000  }
0x3c: {  	[spmem:s3] =	stream.indirect.scatter.add.f32 [tilespmem:s19], [sflag:$0x2], $0x80, s21, s21, $0xb8;
	[tilespmem:$0x18100] =	vst v63  }
0x3d: {  	_ =	swait.ge [sflag:s20], $0x4000  }
0x3e: {  	s25 =	simm.s32 $0x20;
	s24 =	simm.s32 $0x10;
	[sflag:s20] =	ssyncset.done $0x0  }
.LBB2_2:
0x3f: {  	s26 =	sadd.s32 s24, s18  }
0x40: {  	[sflag:s20] =	ssyncadd.s32 $0xFFFFC000;
	s28 =	smov.u32 s25;
	s29 =	sadd.s32 $0x10, s25  }
0x41: {  	[tilespmem:s4], [sflag:$0x2] =	stream.linear.gather [hbm4b:s26+s4], $0x80, $0x38;
	[tilespmem:$0x18100] =	vst v63  }
0x42: {  	p0 =	sne.s32 s25, $0x4E0;
	_ =	swait.ge [sflag:s20], $0x80  }
0x43: {  	[sflag:s20] =	ssyncset.done $0x0  }
0x44: {  	s25 =	sadd.s32 s24, s17;
	s24 =	smov.u32 s28;
	[sflag:s20] =	ssyncadd.s32 $0xFFFFFF80  }
0x45: {  	[tilespmem:s21], [sflag:$0x2] =	stream.linear.gather [hbm4b:s25+s4], $0x80, $0x38;
	[tilespmem:$0x18100] =	vst v63  }
0x46: {  	_ =	swait.ge [sflag:s20], $0x80  }
0x47: {  	[sflag:s20] =	ssyncset.done $0x0  }
0x48: {  	[sflag:s20] =	ssyncadd.s32 $0xFFFFFF80  }
0x49: {  	[tilespmem:s19], [sflag:$0x1] =	stream.indirect.gather [hbm4b:s1+s21], $0x80, s4, s21, $0xb8;
	[tilespmem:$0x18100] =	vst v63  }
0x4a: {  	_ =	swait.ge [sflag:s22], $0x4000  }
.Ltmp0:
0x4b: {  	[sflag:s22] =	ssyncset.done $0x0;
	(pc) =	sbr.rel @p0 .LBB2_2-.Ltmp0, $4  }
0x4c: {  	[sflag:s22] =	ssyncadd.s32 $0xFFFFC000  }
0x4d: {  	[spmem:s3] =	stream.indirect.scatter.add.f32 [tilespmem:s19], [sflag:$0x2], $0x80, s21, s21, $0xb8;
	[tilespmem:$0x18100] =	vst v63  }
0x4e: {  	_ =	swait.ge [sflag:s20], $0x4000  }
0x4f: {  	s25 =	smov.u32 s29;
	[sflag:s20] =	ssyncset.done $0x0  }
0x50: {  	s25 =	sadd.s32 s24, s18;
	[sflag:s20] =	ssyncadd.s32 $0xFFFFC000  }
0x51: {  	[tilespmem:s4], [sflag:$0x2] =	stream.linear.gather [hbm4b:s25+s4], $0x80, $0x38;
	[tilespmem:$0x18100] =	vst v63  }
0x52: {  	_ =	swait.ge [sflag:s20], $0x80  }
0x53: {  	[sflag:s20] =	ssyncset.done $0x0  }
0x54: {  	s31 =	sadd.s32 s24, s17;
	[sflag:s20] =	ssyncadd.s32 $0xFFFFFF80  }
0x55: {  	[tilespmem:s21], [sflag:$0x2] =	stream.linear.gather [hbm4b:s31+s4], $0x80, $0x38;
	[tilespmem:$0x18100] =	vst v63  }
0x56: {  	_ =	swait.ge [sflag:s20], $0x80  }
0x57: {  	[sflag:s20] =	ssyncset.done $0x0  }
0x58: {  	[sflag:s20] =	ssyncadd.s32 $0xFFFFFF80  }
0x59: {  	[tilespmem:s19], [sflag:$0x1] =	stream.indirect.gather [hbm4b:s1+s21], $0x80, s4, s21, $0xb8;
	[tilespmem:$0x18100] =	vst v63  }
0x5a: {  	_ =	swait.ge [sflag:s22], $0x4000  }
0x5b: {  	[sflag:s22] =	ssyncset.done $0x0  }
0x5c: {  	[sflag:s22] =	ssyncadd.s32 $0xFFFFC000  }
0x5d: {  	[spmem:s3] =	stream.indirect.scatter.add.f32 [tilespmem:s19], [sflag:$0x2], $0x80, s21, s21, $0xb8;
	[tilespmem:$0x18100] =	vst v63  }
0x5e: {  	_ =	swait.ge [sflag:s20], $0x4000  }
0x5f: {  	[sflag:s20] =	ssyncset.done $0x0  }
0x60: {  	[sflag:s20] =	ssyncadd.s32 $0xFFFFC000  }
0x61: {  	[bflag:$0x0] =	sbarrier.arrive $0xFFFF  }
0x62: {  	[tilespmem:s19], [sflag:$0x2] =	stream.linear.gather [spmem:s6], $0x4000, $0x38;
	[tilespmem:$0x18100] =	vst v63  }
0x63: {  	_ =	swait.ge [sflag:s20], $0x4000  }
0x64: {  	[sflag:s20] =	ssyncset.done $0x0  }
0x65: {  	[sflag:s20] =	ssyncadd.s32 $0xFFFFC000  }
0x66: {  	[hbm4b:s11+s4] =	stream.linear.scatter [tilespmem:s19], [sflag:$0x2], $0x4000, $0x38;
	[tilespmem:$0x18100] =	vst v63  }
0x67: {  	_ =	swait.ge [sflag:s20], $0x4000  }
0x68: {  	[sflag:s20] =	ssyncset.done $0x0  }
0x69: {  	[sflag:s20] =	ssyncadd.s32 $0xFFFFC000  }
0x6a: {  	[tilespmem:s19], [sflag:$0x2] =	stream.linear.gather [spmem:s7], $0x4000, $0x38;
	[tilespmem:$0x18100] =	vst v63  }
0x6b: {  	_ =	swait.ge [sflag:s20], $0x4000  }
0x6c: {  	[sflag:s20] =	ssyncset.done $0x0  }
0x6d: {  	[sflag:s20] =	ssyncadd.s32 $0xFFFFC000  }
0x6e: {  	[hbm4b:s12+s4] =	stream.linear.scatter [tilespmem:s19], [sflag:$0x2], $0x4000, $0x38;
	[tilespmem:$0x18100] =	vst v63  }
0x6f: {  	_ =	swait.ge [sflag:s20], $0x4000  }
0x70: {  	[sflag:s20] =	ssyncset.done $0x0  }
0x71: {  	[sflag:s20] =	ssyncadd.s32 $0xFFFFC000  }
0x72: {  	[tilespmem:s19], [sflag:$0x2] =	stream.linear.gather [spmem:s8], $0x4000, $0x38;
	[tilespmem:$0x18100] =	vst v63  }
0x73: {  	_ =	swait.ge [sflag:s20], $0x4000  }
0x74: {  	[sflag:s20] =	ssyncset.done $0x0  }
0x75: {  	[sflag:s20] =	ssyncadd.s32 $0xFFFFC000  }
0x76: {  	[hbm4b:s13+s4] =	stream.linear.scatter [tilespmem:s19], [sflag:$0x2], $0x4000, $0x38;
	[tilespmem:$0x18100] =	vst v63  }
0x77: {  	_ =	swait.ge [sflag:s20], $0x4000  }
0x78: {  	[sflag:s20] =	ssyncset.done $0x0  }
0x79: {  	[sflag:s20] =	ssyncadd.s32 $0xFFFFC000  }
0x7a: {  	[tilespmem:s19], [sflag:$0x2] =	stream.linear.gather [spmem:s9], $0x4000, $0x38;
	[tilespmem:$0x18100] =	vst v63  }
0x7b: {  	_ =	swait.ge [sflag:s20], $0x4000  }
0x7c: {  	[sflag:s20] =	ssyncset.done $0x0  }
0x7d: {  	[sflag:s20] =	ssyncadd.s32 $0xFFFFC000  }
0x7e: {  	[hbm4b:s14+s4] =	stream.linear.scatter [tilespmem:s19], [sflag:$0x2], $0x4000, $0x38;
	[tilespmem:$0x18100] =	vst v63  }
0x7f: {  	_ =	swait.ge [sflag:s20], $0x4000  }
0x80: {  	[sflag:s20] =	ssyncset.done $0x0  }
0x81: {  	[sflag:s20] =	ssyncadd.s32 $0xFFFFC000  }
0x82: {  	[tilespmem:s19], [sflag:$0x2] =	stream.linear.gather [spmem:s10], $0x4000, $0x38;
	[tilespmem:$0x18100] =	vst v63  }
0x83: {  	s23 =	sadd.s32 $0x1, s23;
	_ =	swait.ge [sflag:s20], $0x4000  }
0x84: {  	p0 =	sne.s32 s23, s16;
	[sflag:s20] =	ssyncset.done $0x0  }
.Ltmp1:
0x85: {  	[sflag:s20] =	ssyncadd.s32 $0xFFFFC000;
	(pc) =	sbr.rel @p0 .LBB2_1-.Ltmp1, $4  }
0x86: {  	[hbm4b:s15+s4] =	stream.linear.scatter [tilespmem:s19], [sflag:$0x2], $0x4000, $0x38;
	[tilespmem:$0x18100] =	vst v63  }
0x87: {  	_ =	swait.ge [sflag:s20], $0x4000  }
0x88: {  	[sflag:s20] =	ssyncset.done $0x0  }
0x89: {  	[sflag:s20] =	ssyncadd.s32 $0xFFFFC000  }
0x8a: {  	_ =	sfence.sel $0x180000  }
0x8b: {  	[bflag:$0x0] =	sbarrier.arrive $0xFFFF  }
0x8c: {  	p0 =	sne.s32 s2, $0x0;
	_ =	strace $0x90000047  }
0x8d: {  	s0 =	sadd.s32 @!p0 $0x100000, s0;
	[bflag:$0x2] =	sbarrier.arrive $0xFFFF  }
0x8e: {  	[sflag:s0] =	ssyncadd.tile.s32 @!p0 $0x1;
	_ =	shalt  }
.Lfunc_end2:
_tile_overlayer_lowered:
.L_overlay_start_2:
0x8f: {  	(tag) =	ssettag $0x2  }
0x90: {  	s0 =	rddreg [dreg:$0x0];
	s2 =	stileid.u32  }
0x91: {  	s1 =	rddreg [dreg:$0x1];
	p0 =	sne.s32 s2, $0x0  }
0x92: {  	s3 =	rddreg [dreg:$0x2];
	[bflag:$0x3] =	sbarrier.arrive $0xFFFF;
	s2 =	simm.s32 @!p0 $0x1C02  }
0x93: {  	[timem:s3], [sflag:s2] =	dma.local @!p0 [hbm:s0], s1  }
0x94: {  	s0 =	simm.s32 @!p0 $0x2  }
0x95: {  	_ =	swait.ge @!p0 [sflag:s0], s1  }
0x96: {  	s1 =	ssub.s32 @!p0 $0x0, s1;
	[sflag:s0] =	ssyncset.done @!p0 $0x0  }
0x97: {  	[sflag:s0] =	ssyncadd.s32 @!p0 s1  }
0x98: {  	[bflag:$0x3] =	sbarrier.arrive $0xFFFF  }
0x99: {  	_ =	shalt  }

</sc_bundles>
